<compile_context>
chip_gen: v7x
topology: tpu7x:2x2x1
jax: 0.10.2.dev20260603
libtpu: 0.0.44.dev20260713+nightly
codegen_flags: <defaults>
</compile_context>

<pallas_src>
import jax
import jax.numpy as jnp
import numpy as np
from jax import lax
from jax.experimental import pallas as pl
from jax.experimental.pallas import tpu as pltpu
from jax.experimental.pallas import tpu_sc as plsc

L = 16
T = 2 ** 14
F = 2
N_MIN = 16.0
N_MAX = 512.0
B_GROWTH = float(np.exp((np.log(N_MAX) - np.log(N_MIN)) / (L - 1)))
NL = [float(np.floor(N_MIN * (B_GROWTH ** i))) for i in range(L)]

P1 = np.int32(np.uint32(2654435761).view(np.int32))
P2 = np.int32(805459861)
MASK = T - 1

N_POINTS = 262144
C = 4096
C16 = C // 16
NCORES = 2
NSUB = 16
NCH = (N_POINTS // NCORES) // C


def _interleave(gath_v, out_v, cbase, lvlo, lvhi):
    @plsc.parallel_loop(0, C16, unroll=4)
    def _row(r):
        i1 = cbase + r * 2
        v0 = plsc.load_gather(gath_v, [lvlo, i1])
        v1 = plsc.load_gather(gath_v, [lvhi, i1])
        out_v[r, pl.ds(0, 16)] = v0
        out_v[r, pl.ds(16, 16)] = v1


def _body(x0_hbm, x1_hbm, x2_hbm, tab0_hbm, tab1_hbm, out_hbm,
          xc0_v, xc1_v, xc2_v, tab0_v, tab1_v, fpair_v, gath_v, out_v, spbuf,
          xsem, psem, osem):
    cid = lax.axis_index("c")
    sid = lax.axis_index("s")
    half_base = cid * (N_POINTS // NCORES)

    pltpu.sync_copy(tab0_hbm.at[sid], tab0_v)
    pltpu.sync_copy(tab1_hbm.at[sid], tab1_v)

    nl_vec = jnp.float32(NL[0])
    for _i in range(1, L):
        nl_vec = jnp.where(sid == _i, jnp.float32(NL[_i]), nl_vec)

    iota = lax.iota(jnp.int32, 16)
    iota2 = iota * 2
    cbase = jnp.bitwise_and(iota, 1)
    lvlo = lax.shift_right_logical(iota, 1)
    lvhi = lvlo + 8

    xcols = ((x0_hbm, xc0_v), (x1_hbm, xc1_v), (x2_hbm, xc2_v))
    for h, v in xcols:
        pltpu.async_copy(h.at[pl.ds(half_base, C)], v.at[pl.ds(0, C)],
                         xsem).wait()
    for h, v in xcols:
        pltpu.async_copy(h.at[pl.ds(half_base + C, C)], v.at[pl.ds(C, C)],
                         xsem)

    @pl.loop(0, NCH)
    def _chunk(k):
        row0 = half_base + k * C
        buf = lax.rem(k, 2)
        xb = buf * C

        @plsc.parallel_loop(0, C // 16, unroll=6)
        def _grp(g):
            base = xb + g * 16
            px = xc0_v[pl.ds(base, 16)]
            py = xc1_v[pl.ds(base, 16)]
            pz = xc2_v[pl.ds(base, 16)]

            tx = px * nl_vec
            ty = py * nl_vec
            tz = pz * nl_vec
            gx = tx.astype(jnp.int32)
            gy = ty.astype(jnp.int32)
            gz = tz.astype(jnp.int32)
            wx = tx - gx.astype(jnp.float32)
            wy = ty - gy.astype(jnp.float32)
            wz = tz - gz.astype(jnp.float32)

            hy0 = gy * P1
            hy1 = hy0 + P1
            hz0 = gz * P2
            hz1 = hz0 + P2
            a0 = gx
            a1 = gx + 1
            b = [(hy0 ^ hz0) & MASK, (hy0 ^ hz1) & MASK,
                 (hy1 ^ hz0) & MASK, (hy1 ^ hz1) & MASK]

            res = []
            for tab in (tab0_v, tab1_v):
                yvals = []
                for jj in (0, 1):
                    zvals = []
                    for kk in (0, 1):
                        f0 = plsc.load_gather(tab, [a0 ^ b[2 * jj + kk]])
                        f1 = plsc.load_gather(tab, [a1 ^ b[2 * jj + kk]])
                        zvals.append(f0 + wx * (f1 - f0))
                    yvals.append(zvals[0] + wz * (zvals[1] - zvals[0]))
                res.append(yvals[0] + wy * (yvals[1] - yvals[0]))

            si = iota2 + g * 32
            plsc.store_scatter(fpair_v, [si], res[0])
            plsc.store_scatter(fpair_v, [si + 1], res[1])

        @pl.when(k < NCH - 1)
        def _():
            for h, v in xcols:
                pltpu.make_async_copy(
                    h.at[pl.ds(row0 + C, C)],
                    v.at[pl.ds((1 - buf) * C, C)], xsem).wait()
        @pl.when(k < NCH - 2)
        def _():
            for h, v in xcols:
                pltpu.async_copy(h.at[pl.ds(row0 + 2 * C, C)],
                                 v.at[pl.ds(buf * C, C)], xsem)

        @pl.when(k > 0)
        def _():
            pltpu.make_async_copy(
                spbuf.at[:, pl.ds(sid * (C16 * 2), C16 * 2)], gath_v,
                psem).wait()
        plsc.subcore_barrier()
        @pl.when(k > 1)
        def _():
            pltpu.make_async_copy(
                out_v, out_hbm.at[pl.ds(row0 + sid * C16, C16), :],
                osem).wait()
        @pl.when(k > 0)
        def _():
            _interleave(gath_v, out_v, cbase, lvlo, lvhi)
            pltpu.async_copy(
                out_v,
                out_hbm.at[pl.ds(row0 - C + sid * C16, C16), :], osem)

        pltpu.sync_copy(fpair_v, spbuf.at[sid])
        plsc.subcore_barrier()
        pltpu.async_copy(spbuf.at[:, pl.ds(sid * (C16 * 2), C16 * 2)],
                         gath_v, psem)

    pltpu.make_async_copy(
        spbuf.at[:, pl.ds(sid * (C16 * 2), C16 * 2)], gath_v, psem).wait()
    pltpu.make_async_copy(
        out_v, out_hbm.at[pl.ds(half_base + sid * C16, C16), :], osem).wait()
    _interleave(gath_v, out_v, cbase, lvlo, lvhi)
    last = half_base + (NCH - 1) * C + sid * C16
    pltpu.async_copy(out_v, out_hbm.at[pl.ds(last, C16), :], osem)
    pltpu.make_async_copy(
        out_v, out_hbm.at[pl.ds(last, C16), :], osem).wait()


@jax.jit
def kernel(x, tables):
    n = x.shape[0]
    mesh = plsc.VectorSubcoreMesh(core_axis_name="c", subcore_axis_name="s",
                                  num_cores=NCORES, num_subcores=NSUB)
    run = pl.kernel(
        _body,
        out_type=jax.ShapeDtypeStruct((n, L * F), jnp.float32),
        mesh=mesh,
        compiler_params=pltpu.CompilerParams(needs_layout_passes=False),
        scratch_types=[
            pltpu.VMEM((2 * C,), jnp.float32),
            pltpu.VMEM((2 * C,), jnp.float32),
            pltpu.VMEM((2 * C,), jnp.float32),
            pltpu.VMEM((T,), jnp.float32),
            pltpu.VMEM((T,), jnp.float32),
            pltpu.VMEM((2 * C,), jnp.float32),
            pltpu.VMEM((L, C16 * 2), jnp.float32),
            pltpu.VMEM((C16, L * F), jnp.float32),
            pltpu.VMEM_SHARED((L, 2 * C), jnp.float32),
            pltpu.SemaphoreType.DMA,
            pltpu.SemaphoreType.DMA,
            pltpu.SemaphoreType.DMA,
        ],
    )
    return run(x[:, 0], x[:, 1], x[:, 2], tables[:, :, 0], tables[:, :, 1])

# --- scband reference (transcript-rebuilt; emitter-appended) ---
"""Pipeline reference for scband-hash-encoder-89790586290649 (READ-ONLY COPY).

The authoritative reference and input builder live on the scoring server;
editing this copy changes nothing except your own understanding.
"""

import jax, jax.numpy as jnp
import numpy as np

L = 16
logT = 14
T = 2 ** 14
F = 2
N_MIN = 16.0
N_MAX = 512.0
B_GROWTH = float(np.exp((np.log(N_MAX) - np.log(N_MIN)) / (L - 1)))
MIN_BOUND = np.array([0.0, 0.0, 0.0], dtype=np.float32)
MAX_BOUND = np.array([1.0, 1.0, 1.0], dtype=np.float32)
N_POINTS = 262144

# corner offsets for the 8 voxel vertices, bottom-left-first binary order
OFFSETS = np.array([[i, j, k] for i in (0, 1) for j in (0, 1) for k in (0, 1)], dtype=np.int64)
PRIMES = np.array([1, 2654435761, 805459861], dtype=np.uint32)


def setup_inputs(seed: int = 0) -> dict:
    key = jax.random.key(seed)
    kx, kw = jax.random.split(key)
    x = jax.random.uniform(kx, (N_POINTS, 3), dtype=jnp.float32)  # points inside bbox [0,1]^3
    # nn.init.uniform_(weight, a=-1e-4, b=1e-4) for each of the L tables; stack as [L, T, F]
    tables = jax.random.uniform(kw, (L, T, F), minval=-0.0001, maxval=0.0001, dtype=jnp.float32)
    return {"x": x, "tables": tables}


def _hashing_of_voxel(max_bound, min_bound, x, N_l):
    # cube (voxel) size at this resolution level
    cube_size = (max_bound - min_bound) / N_l  # [3]
    grid = jnp.floor((x - min_bound) / cube_size)  # [N, 3] integer grid coords of bottom-left vertex
    bottom_left_vertex = min_bound + grid * cube_size  # [N, 3] world-space bottom-left corner
    corners = grid.astype(jnp.int64)[:, None, :] + jnp.asarray(OFFSETS)[None, :, :]  # [N, 8, 3]
    c = corners.astype(jnp.uint32)
    # instant-NGP spatial hash: xor of coordinate * large primes, mod T
    h = (c[..., 0] * jnp.uint32(PRIMES[0])) ^ (c[..., 1] * jnp.uint32(PRIMES[1])) ^ (c[..., 2] * jnp.uint32(PRIMES[2]))
    voxel_hash_indices = (h % jnp.uint32(T)).astype(jnp.int32)  # [N, 8]
    return cube_size, bottom_left_vertex, voxel_hash_indices


def _trilinear_interpolate(x, cube_size, bottom_left_vertex, voxel_hash_value):
    # voxel_hash_value: [N, 8, F]
    w = (x - bottom_left_vertex) / cube_size  # [N, 3] fractional position in voxel
    w = jnp.clip(w, 0.0, 1.0)
    off = jnp.asarray(OFFSETS).astype(jnp.float32)  # [8, 3]
    corner_w = jnp.prod(off[None, :, :] * w[:, None, :] + (1.0 - off[None, :, :]) * (1.0 - w[:, None, :]), axis=-1)  # [N, 8]
    return jnp.sum(corner_w[..., None] * voxel_hash_value, axis=1)  # [N, F]


def reference(x, tables):
    min_bound = jnp.asarray(MIN_BOUND)
    max_bound = jnp.asarray(MAX_BOUND)
    feature_vector = []
    for i in range(L):
        N_l = float(np.floor(N_MIN * (B_GROWTH ** i)))
        cube_size, bl, idx = _hashing_of_voxel(max_bound, min_bound, x, N_l)
        voxel_hash_value = jnp.take(tables[i], idx, axis=0)  # embedding lookup, [N, 8, F]
        feature_vector.append(_trilinear_interpolate(x, cube_size, bl, voxel_hash_value))
    return jnp.concatenate(feature_vector, axis=-1)  # [N, L*F] = [262144, 32]

if __name__ == "__main__":
    import jax
    _d = setup_inputs()
    print(jax.jit(kernel)(*tuple(_d.values())))

</pallas_src>

<mosaic_0001>
#map = affine_map<(d0, d1) -> (0)>
#map1 = affine_map<(d0, d1) -> (0, 0)>
module attributes {stable_mosaic.version = 14 : i64} {
  func.func @_body(%arg0: i32, %arg1: i32, %arg2: memref<262144xf32, #tpu.memory_space<hbm>>, %arg3: memref<262144xf32, #tpu.memory_space<hbm>>, %arg4: memref<262144xf32, #tpu.memory_space<hbm>>, %arg5: memref<16x16384xf32, #tpu.memory_space<hbm>>, %arg6: memref<16x16384xf32, #tpu.memory_space<hbm>>, %arg7: memref<262144x32xf32, #tpu.memory_space<hbm>>, %arg8: memref<8192xf32, #tpu.memory_space<vmem>>, %arg9: memref<8192xf32, #tpu.memory_space<vmem>>, %arg10: memref<8192xf32, #tpu.memory_space<vmem>>, %arg11: memref<16384xf32, #tpu.memory_space<vmem>>, %arg12: memref<16384xf32, #tpu.memory_space<vmem>>, %arg13: memref<8192xf32, #tpu.memory_space<vmem>>, %arg14: memref<16x512xf32, #tpu.memory_space<vmem>>, %arg15: memref<256x32xf32, #tpu.memory_space<vmem>>, %arg16: memref<16x8192xf32, #tpu.memory_space<vmem_shared>>, %arg17: memref<!tpu.dma_semaphore, #tpu.memory_space<semaphore_mem>>, %arg18: memref<!tpu.dma_semaphore, #tpu.memory_space<semaphore_mem>>, %arg19: memref<!tpu.dma_semaphore, #tpu.memory_space<semaphore_mem>>) attributes {dimension_semantics = [#tpu.dimension_semantics<core_parallel>, #tpu.dimension_semantics<subcore_parallel>], iteration_bounds = array<i64: 2, 16>, scalar_prefetch = 0 : i64, scratch_operands = 12 : i64, tpu.core_type = #tpu.core_type<sc_vector_subcore>, window_params = [{transform_indices = #map}, {transform_indices = #map}, {transform_indices = #map}, {transform_indices = #map1}, {transform_indices = #map1}, {transform_indices = #map1}]} {
    %mul3A = arith.constant 131072 : i32
    %mul3A_0 = arith.muli %arg0, %mul3A : i32
    "tpu.region"() ({
      %run_scoped3A = tpu.sem_alloc : memref<!tpu.dma_semaphore, #tpu.memory_space<semaphore_mem>>
      %dma_start3A_158 = arith.constant 0 : i32
      %dma_start3A_159 = tpu.memref_slice %arg5[%arg1, %dma_start3A_158] : memref<16x16384xf32, #tpu.memory_space<hbm>> -> memref<1x16384xf32, #tpu.memory_space<hbm>>
      %dma_start3A_160 = tpu.memref_squeeze %dma_start3A_159 : memref<1x16384xf32, #tpu.memory_space<hbm>> -> memref<16384xf32, #tpu.memory_space<hbm>>
      %dma_start3A_161 = arith.constant 0 : i32
      %dma_start3A_162 = tpu.memref_slice %arg5[%arg1, %dma_start3A_161] : memref<16x16384xf32, #tpu.memory_space<hbm>> -> memref<1x16384xf32, #tpu.memory_space<hbm>>
      %dma_start3A_163 = tpu.memref_squeeze %dma_start3A_162 : memref<1x16384xf32, #tpu.memory_space<hbm>> -> memref<16384xf32, #tpu.memory_space<hbm>>
      tpu.enqueue_dma source(%dma_start3A_163 : memref<16384xf32, #tpu.memory_space<hbm>>) target(%arg11 : memref<16384xf32, #tpu.memory_space<vmem>>) target_semaphore(%run_scoped3A : memref<!tpu.dma_semaphore, #tpu.memory_space<semaphore_mem>>)
      %dma_wait3A_164 = arith.constant 0 : i32
      %dma_wait3A_165 = tpu.memref_slice %arg5[%arg1, %dma_wait3A_164] : memref<16x16384xf32, #tpu.memory_space<hbm>> -> memref<1x16384xf32, #tpu.memory_space<hbm>>
      %dma_wait3A_166 = tpu.memref_squeeze %dma_wait3A_165 : memref<1x16384xf32, #tpu.memory_space<hbm>> -> memref<16384xf32, #tpu.memory_space<hbm>>
      %dma_wait3A_167 = arith.constant 0 : i32
      %dma_wait3A_168 = tpu.memref_slice %arg5[%arg1, %dma_wait3A_167] : memref<16x16384xf32, #tpu.memory_space<hbm>> -> memref<1x16384xf32, #tpu.memory_space<hbm>>
      %dma_wait3A_169 = tpu.memref_squeeze %dma_wait3A_168 : memref<1x16384xf32, #tpu.memory_space<hbm>> -> memref<16384xf32, #tpu.memory_space<hbm>>
      tpu.wait_dma2 semaphore(%run_scoped3A : memref<!tpu.dma_semaphore, #tpu.memory_space<semaphore_mem>>) src(%dma_wait3A_169 : memref<16384xf32, #tpu.memory_space<hbm>>) dst(%arg11 : memref<16384xf32, #tpu.memory_space<vmem>>)
      tpu.yield
    }) : () -> ()
    "tpu.region"() ({
      %run_scoped3A = tpu.sem_alloc : memref<!tpu.dma_semaphore, #tpu.memory_space<semaphore_mem>>
      %dma_start3A_158 = arith.constant 0 : i32
      %dma_start3A_159 = tpu.memref_slice %arg6[%arg1, %dma_start3A_158] : memref<16x16384xf32, #tpu.memory_space<hbm>> -> memref<1x16384xf32, #tpu.memory_space<hbm>>
      %dma_start3A_160 = tpu.memref_squeeze %dma_start3A_159 : memref<1x16384xf32, #tpu.memory_space<hbm>> -> memref<16384xf32, #tpu.memory_space<hbm>>
      %dma_start3A_161 = arith.constant 0 : i32
      %dma_start3A_162 = tpu.memref_slice %arg6[%arg1, %dma_start3A_161] : memref<16x16384xf32, #tpu.memory_space<hbm>> -> memref<1x16384xf32, #tpu.memory_space<hbm>>
      %dma_start3A_163 = tpu.memref_squeeze %dma_start3A_162 : memref<1x16384xf32, #tpu.memory_space<hbm>> -> memref<16384xf32, #tpu.memory_space<hbm>>
      tpu.enqueue_dma source(%dma_start3A_163 : memref<16384xf32, #tpu.memory_space<hbm>>) target(%arg12 : memref<16384xf32, #tpu.memory_space<vmem>>) target_semaphore(%run_scoped3A : memref<!tpu.dma_semaphore, #tpu.memory_space<semaphore_mem>>)
      %dma_wait3A_164 = arith.constant 0 : i32
      %dma_wait3A_165 = tpu.memref_slice %arg6[%arg1, %dma_wait3A_164] : memref<16x16384xf32, #tpu.memory_space<hbm>> -> memref<1x16384xf32, #tpu.memory_space<hbm>>
      %dma_wait3A_166 = tpu.memref_squeeze %dma_wait3A_165 : memref<1x16384xf32, #tpu.memory_space<hbm>> -> memref<16384xf32, #tpu.memory_space<hbm>>
      %dma_wait3A_167 = arith.constant 0 : i32
      %dma_wait3A_168 = tpu.memref_slice %arg6[%arg1, %dma_wait3A_167] : memref<16x16384xf32, #tpu.memory_space<hbm>> -> memref<1x16384xf32, #tpu.memory_space<hbm>>
      %dma_wait3A_169 = tpu.memref_squeeze %dma_wait3A_168 : memref<1x16384xf32, #tpu.memory_space<hbm>> -> memref<16384xf32, #tpu.memory_space<hbm>>
      tpu.wait_dma2 semaphore(%run_scoped3A : memref<!tpu.dma_semaphore, #tpu.memory_space<semaphore_mem>>) src(%dma_wait3A_169 : memref<16384xf32, #tpu.memory_space<hbm>>) dst(%arg12 : memref<16384xf32, #tpu.memory_space<vmem>>)
      tpu.yield
    }) : () -> ()
    %eq3A = arith.constant 1 : i32
    %eq3A_1 = arith.cmpi eq, %arg1, %eq3A : i32
    %jit3A = arith.constant 2.000000e+01 : f32
    %jit3A_2 = arith.constant 1.600000e+01 : f32
    %select_n3A = arith.select %eq3A_1, %jit3A, %jit3A_2 : f32
    %eq3A_3 = arith.constant 2 : i32
    %eq3A_4 = arith.cmpi eq, %arg1, %eq3A_3 : i32
    %jit3A_5 = arith.constant 2.500000e+01 : f32
    %select_n3A_6 = arith.select %eq3A_4, %jit3A_5, %select_n3A : f32
    %eq3A_7 = arith.constant 3 : i32
    %eq3A_8 = arith.cmpi eq, %arg1, %eq3A_7 : i32
    %jit3A_9 = arith.constant 3.200000e+01 : f32
    %select_n3A_10 = arith.select %eq3A_8, %jit3A_9, %select_n3A_6 : f32
    %eq3A_11 = arith.constant 4 : i32
    %eq3A_12 = arith.cmpi eq, %arg1, %eq3A_11 : i32
    %jit3A_13 = arith.constant 4.000000e+01 : f32
    %select_n3A_14 = arith.select %eq3A_12, %jit3A_13, %select_n3A_10 : f32
    %eq3A_15 = arith.constant 5 : i32
    %eq3A_16 = arith.cmpi eq, %arg1, %eq3A_15 : i32
    %jit3A_17 = arith.constant 5.000000e+01 : f32
    %select_n3A_18 = arith.select %eq3A_16, %jit3A_17, %select_n3A_14 : f32
    %eq3A_19 = arith.constant 6 : i32
    %eq3A_20 = arith.cmpi eq, %arg1, %eq3A_19 : i32
    %jit3A_21 = arith.constant 6.400000e+01 : f32
    %select_n3A_22 = arith.select %eq3A_20, %jit3A_21, %select_n3A_18 : f32
    %eq3A_23 = arith.constant 7 : i32
    %eq3A_24 = arith.cmpi eq, %arg1, %eq3A_23 : i32
    %jit3A_25 = arith.constant 8.000000e+01 : f32
    %select_n3A_26 = arith.select %eq3A_24, %jit3A_25, %select_n3A_22 : f32
    %eq3A_27 = arith.constant 8 : i32
    %eq3A_28 = arith.cmpi eq, %arg1, %eq3A_27 : i32
    %jit3A_29 = arith.constant 1.010000e+02 : f32
    %select_n3A_30 = arith.select %eq3A_28, %jit3A_29, %select_n3A_26 : f32
    %eq3A_31 = arith.constant 9 : i32
    %eq3A_32 = arith.cmpi eq, %arg1, %eq3A_31 : i32
    %jit3A_33 = arith.constant 1.280000e+02 : f32
    %select_n3A_34 = arith.select %eq3A_32, %jit3A_33, %select_n3A_30 : f32
    %eq3A_35 = arith.constant 10 : i32
    %eq3A_36 = arith.cmpi eq, %arg1, %eq3A_35 : i32
    %jit3A_37 = arith.constant 1.610000e+02 : f32
    %select_n3A_38 = arith.select %eq3A_36, %jit3A_37, %select_n3A_34 : f32
    %eq3A_39 = arith.constant 11 : i32
    %eq3A_40 = arith.cmpi eq, %arg1, %eq3A_39 : i32
    %jit3A_41 = arith.constant 2.030000e+02 : f32
    %select_n3A_42 = arith.select %eq3A_40, %jit3A_41, %select_n3A_38 : f32
    %eq3A_43 = arith.constant 12 : i32
    %eq3A_44 = arith.cmpi eq, %arg1, %eq3A_43 : i32
    %jit3A_45 = arith.constant 2.560000e+02 : f32
    %select_n3A_46 = arith.select %eq3A_44, %jit3A_45, %select_n3A_42 : f32
    %eq3A_47 = arith.constant 13 : i32
    %eq3A_48 = arith.cmpi eq, %arg1, %eq3A_47 : i32
    %jit3A_49 = arith.constant 3.220000e+02 : f32
    %select_n3A_50 = arith.select %eq3A_48, %jit3A_49, %select_n3A_46 : f32
    %eq3A_51 = arith.constant 14 : i32
    %eq3A_52 = arith.cmpi eq, %arg1, %eq3A_51 : i32
    %jit3A_53 = arith.constant 4.060000e+02 : f32
    %select_n3A_54 = arith.select %eq3A_52, %jit3A_53, %select_n3A_50 : f32
    %eq3A_55 = arith.constant 15 : i32
    %eq3A_56 = arith.cmpi eq, %arg1, %eq3A_55 : i32
    %jit3A_57 = arith.constant 5.120000e+02 : f32
    %select_n3A_58 = arith.select %eq3A_56, %jit3A_57, %select_n3A_54 : f32
    %iota3A = tpu.iota {dimensions = array<i32: 0>} : vector<16xi32>
    %mul3A_59 = arith.constant 2 : i32
    %mul3A_60 = vector.broadcast %mul3A_59 : i32 to vector<16xi32>
    %mul3A_61 = arith.muli %iota3A, %mul3A_60 : vector<16xi32>
    %and3A = arith.constant 1 : i32
    %and3A_62 = vector.broadcast %and3A : i32 to vector<16xi32>
    %and3A_63 = arith.andi %iota3A, %and3A_62 : vector<16xi32>
    %shift_right_logical3A = arith.constant 1 : i32
    %shift_right_logical3A_64 = vector.broadcast %shift_right_logical3A : i32 to vector<16xi32>
    %shift_right_logical3A_65 = arith.shrui %iota3A, %shift_right_logical3A_64 : vector<16xi32>
    %add3A = arith.constant 8 : i32
    %add3A_66 = vector.broadcast %add3A : i32 to vector<16xi32>
    %add3A_67 = arith.addi %shift_right_logical3A_65, %add3A_66 : vector<16xi32>
    %dma_start3A = arith.constant 0 : i32
    %dma_start3A_68 = tpu.memref_slice %arg8[%dma_start3A] : memref<8192xf32, #tpu.memory_space<vmem>> -> memref<4096xf32, #tpu.memory_space<vmem>>
    %dma_start3A_69 = tpu.memref_slice %arg2[%mul3A_0] : memref<262144xf32, #tpu.memory_space<hbm>> -> memref<4096xf32, #tpu.memory_space<hbm>>
    %dma_start3A_70 = arith.constant 0 : i32
    %dma_start3A_71 = tpu.memref_slice %arg8[%dma_start3A_70] : memref<8192xf32, #tpu.memory_space<vmem>> -> memref<4096xf32, #tpu.memory_space<vmem>>
    %dma_start3A_72 = tpu.memref_slice %arg2[%mul3A_0] : memref<262144xf32, #tpu.memory_space<hbm>> -> memref<4096xf32, #tpu.memory_space<hbm>>
    tpu.enqueue_dma source(%dma_start3A_72 : memref<4096xf32, #tpu.memory_space<hbm>>) target(%dma_start3A_71 : memref<4096xf32, #tpu.memory_space<vmem>>) target_semaphore(%arg17 : memref<!tpu.dma_semaphore, #tpu.memory_space<semaphore_mem>>)
    %dma_wait3A = arith.constant 0 : i32
    %dma_wait3A_73 = tpu.memref_slice %arg8[%dma_wait3A] : memref<8192xf32, #tpu.memory_space<vmem>> -> memref<4096xf32, #tpu.memory_space<vmem>>
    %dma_wait3A_74 = tpu.memref_slice %arg2[%mul3A_0] : memref<262144xf32, #tpu.memory_space<hbm>> -> memref<4096xf32, #tpu.memory_space<hbm>>
    %dma_wait3A_75 = arith.constant 0 : i32
    %dma_wait3A_76 = tpu.memref_slice %arg8[%dma_wait3A_75] : memref<8192xf32, #tpu.memory_space<vmem>> -> memref<4096xf32, #tpu.memory_space<vmem>>
    %dma_wait3A_77 = tpu.memref_slice %arg2[%mul3A_0] : memref<262144xf32, #tpu.memory_space<hbm>> -> memref<4096xf32, #tpu.memory_space<hbm>>
    tpu.wait_dma2 semaphore(%arg17 : memref<!tpu.dma_semaphore, #tpu.memory_space<semaphore_mem>>) src(%dma_wait3A_77 : memref<4096xf32, #tpu.memory_space<hbm>>) dst(%dma_wait3A_76 : memref<4096xf32, #tpu.memory_space<vmem>>)
    %dma_start3A_78 = arith.constant 0 : i32
    %dma_start3A_79 = tpu.memref_slice %arg9[%dma_start3A_78] : memref<8192xf32, #tpu.memory_space<vmem>> -> memref<4096xf32, #tpu.memory_space<vmem>>
    %dma_start3A_80 = tpu.memref_slice %arg3[%mul3A_0] : memref<262144xf32, #tpu.memory_space<hbm>> -> memref<4096xf32, #tpu.memory_space<hbm>>
    %dma_start3A_81 = arith.constant 0 : i32
    %dma_start3A_82 = tpu.memref_slice %arg9[%dma_start3A_81] : memref<8192xf32, #tpu.memory_space<vmem>> -> memref<4096xf32, #tpu.memory_space<vmem>>
    %dma_start3A_83 = tpu.memref_slice %arg3[%mul3A_0] : memref<262144xf32, #tpu.memory_space<hbm>> -> memref<4096xf32, #tpu.memory_space<hbm>>
    tpu.enqueue_dma source(%dma_start3A_83 : memref<4096xf32, #tpu.memory_space<hbm>>) target(%dma_start3A_82 : memref<4096xf32, #tpu.memory_space<vmem>>) target_semaphore(%arg17 : memref<!tpu.dma_semaphore, #tpu.memory_space<semaphore_mem>>)
    %dma_wait3A_84 = arith.constant 0 : i32
    %dma_wait3A_85 = tpu.memref_slice %arg9[%dma_wait3A_84] : memref<8192xf32, #tpu.memory_space<vmem>> -> memref<4096xf32, #tpu.memory_space<vmem>>
    %dma_wait3A_86 = tpu.memref_slice %arg3[%mul3A_0] : memref<262144xf32, #tpu.memory_space<hbm>> -> memref<4096xf32, #tpu.memory_space<hbm>>
    %dma_wait3A_87 = arith.constant 0 : i32
    %dma_wait3A_88 = tpu.memref_slice %arg9[%dma_wait3A_87] : memref<8192xf32, #tpu.memory_space<vmem>> -> memref<4096xf32, #tpu.memory_space<vmem>>
    %dma_wait3A_89 = tpu.memref_slice %arg3[%mul3A_0] : memref<262144xf32, #tpu.memory_space<hbm>> -> memref<4096xf32, #tpu.memory_space<hbm>>
    tpu.wait_dma2 semaphore(%arg17 : memref<!tpu.dma_semaphore, #tpu.memory_space<semaphore_mem>>) src(%dma_wait3A_89 : memref<4096xf32, #tpu.memory_space<hbm>>) dst(%dma_wait3A_88 : memref<4096xf32, #tpu.memory_space<vmem>>)
    %dma_start3A_90 = arith.constant 0 : i32
    %dma_start3A_91 = tpu.memref_slice %arg10[%dma_start3A_90] : memref<8192xf32, #tpu.memory_space<vmem>> -> memref<4096xf32, #tpu.memory_space<vmem>>
    %dma_start3A_92 = tpu.memref_slice %arg4[%mul3A_0] : memref<262144xf32, #tpu.memory_space<hbm>> -> memref<4096xf32, #tpu.memory_space<hbm>>
    %dma_start3A_93 = arith.constant 0 : i32
    %dma_start3A_94 = tpu.memref_slice %arg10[%dma_start3A_93] : memref<8192xf32, #tpu.memory_space<vmem>> -> memref<4096xf32, #tpu.memory_space<vmem>>
    %dma_start3A_95 = tpu.memref_slice %arg4[%mul3A_0] : memref<262144xf32, #tpu.memory_space<hbm>> -> memref<4096xf32, #tpu.memory_space<hbm>>
    tpu.enqueue_dma source(%dma_start3A_95 : memref<4096xf32, #tpu.memory_space<hbm>>) target(%dma_start3A_94 : memref<4096xf32, #tpu.memory_space<vmem>>) target_semaphore(%arg17 : memref<!tpu.dma_semaphore, #tpu.memory_space<semaphore_mem>>)
    %dma_wait3A_96 = arith.constant 0 : i32
    %dma_wait3A_97 = tpu.memref_slice %arg10[%dma_wait3A_96] : memref<8192xf32, #tpu.memory_space<vmem>> -> memref<4096xf32, #tpu.memory_space<vmem>>
    %dma_wait3A_98 = tpu.memref_slice %arg4[%mul3A_0] : memref<262144xf32, #tpu.memory_space<hbm>> -> memref<4096xf32, #tpu.memory_space<hbm>>
    %dma_wait3A_99 = arith.constant 0 : i32
    %dma_wait3A_100 = tpu.memref_slice %arg10[%dma_wait3A_99] : memref<8192xf32, #tpu.memory_space<vmem>> -> memref<4096xf32, #tpu.memory_space<vmem>>
    %dma_wait3A_101 = tpu.memref_slice %arg4[%mul3A_0] : memref<262144xf32, #tpu.memory_space<hbm>> -> memref<4096xf32, #tpu.memory_space<hbm>>
    tpu.wait_dma2 semaphore(%arg17 : memref<!tpu.dma_semaphore, #tpu.memory_space<semaphore_mem>>) src(%dma_wait3A_101 : memref<4096xf32, #tpu.memory_space<hbm>>) dst(%dma_wait3A_100 : memref<4096xf32, #tpu.memory_space<vmem>>)
    %add3A_102 = arith.constant 4096 : i32
    %add3A_103 = arith.addi %mul3A_0, %add3A_102 : i32
    %dma_start3A_104 = arith.constant 4096 : i32
    %dma_start3A_105 = tpu.memref_slice %arg8[%dma_start3A_104] : memref<8192xf32, #tpu.memory_space<vmem>> -> memref<4096xf32, #tpu.memory_space<vmem>>
    %dma_start3A_106 = tpu.memref_slice %arg2[%add3A_103] : memref<262144xf32, #tpu.memory_space<hbm>> -> memref<4096xf32, #tpu.memory_space<hbm>>
    %dma_start3A_107 = arith.constant 4096 : i32
    %dma_start3A_108 = tpu.memref_slice %arg8[%dma_start3A_107] : memref<8192xf32, #tpu.memory_space<vmem>> -> memref<4096xf32, #tpu.memory_space<vmem>>
    %dma_start3A_109 = tpu.memref_slice %arg2[%add3A_103] : memref<262144xf32, #tpu.memory_space<hbm>> -> memref<4096xf32, #tpu.memory_space<hbm>>
    tpu.enqueue_dma source(%dma_start3A_109 : memref<4096xf32, #tpu.memory_space<hbm>>) target(%dma_start3A_108 : memref<4096xf32, #tpu.memory_space<vmem>>) target_semaphore(%arg17 : memref<!tpu.dma_semaphore, #tpu.memory_space<semaphore_mem>>)
    %add3A_110 = arith.constant 4096 : i32
    %add3A_111 = arith.addi %mul3A_0, %add3A_110 : i32
    %dma_start3A_112 = arith.constant 4096 : i32
    %dma_start3A_113 = tpu.memref_slice %arg9[%dma_start3A_112] : memref<8192xf32, #tpu.memory_space<vmem>> -> memref<4096xf32, #tpu.memory_space<vmem>>
    %dma_start3A_114 = tpu.memref_slice %arg3[%add3A_111] : memref<262144xf32, #tpu.memory_space<hbm>> -> memref<4096xf32, #tpu.memory_space<hbm>>
    %dma_start3A_115 = arith.constant 4096 : i32
    %dma_start3A_116 = tpu.memref_slice %arg9[%dma_start3A_115] : memref<8192xf32, #tpu.memory_space<vmem>> -> memref<4096xf32, #tpu.memory_space<vmem>>
    %dma_start3A_117 = tpu.memref_slice %arg3[%add3A_111] : memref<262144xf32, #tpu.memory_space<hbm>> -> memref<4096xf32, #tpu.memory_space<hbm>>
    tpu.enqueue_dma source(%dma_start3A_117 : memref<4096xf32, #tpu.memory_space<hbm>>) target(%dma_start3A_116 : memref<4096xf32, #tpu.memory_space<vmem>>) target_semaphore(%arg17 : memref<!tpu.dma_semaphore, #tpu.memory_space<semaphore_mem>>)
    %add3A_118 = arith.constant 4096 : i32
    %add3A_119 = arith.addi %mul3A_0, %add3A_118 : i32
    %dma_start3A_120 = arith.constant 4096 : i32
    %dma_start3A_121 = tpu.memref_slice %arg10[%dma_start3A_120] : memref<8192xf32, #tpu.memory_space<vmem>> -> memref<4096xf32, #tpu.memory_space<vmem>>
    %dma_start3A_122 = tpu.memref_slice %arg4[%add3A_119] : memref<262144xf32, #tpu.memory_space<hbm>> -> memref<4096xf32, #tpu.memory_space<hbm>>
    %dma_start3A_123 = arith.constant 4096 : i32
    %dma_start3A_124 = tpu.memref_slice %arg10[%dma_start3A_123] : memref<8192xf32, #tpu.memory_space<vmem>> -> memref<4096xf32, #tpu.memory_space<vmem>>
    %dma_start3A_125 = tpu.memref_slice %arg4[%add3A_119] : memref<262144xf32, #tpu.memory_space<hbm>> -> memref<4096xf32, #tpu.memory_space<hbm>>
    tpu.enqueue_dma source(%dma_start3A_125 : memref<4096xf32, #tpu.memory_space<hbm>>) target(%dma_start3A_124 : memref<4096xf32, #tpu.memory_space<vmem>>) target_semaphore(%arg17 : memref<!tpu.dma_semaphore, #tpu.memory_space<semaphore_mem>>)
    %scan3A = arith.constant 0 : i32
    %scan3A_126 = arith.constant 32 : i32
    %scan3A_127 = arith.addi %scan3A, %scan3A_126 : i32
    %scan3A_128 = arith.constant 1 : i32
    scf.for %scan3A_158 = %scan3A to %scan3A_127 step %scan3A_128  : i32 {
      %mul3A_159 = arith.constant 1 : i32
      %mul3A_160 = arith.muli %scan3A_158, %mul3A_159 : i32
      %add3A_161 = arith.constant 0 : i32
      %add3A_162 = arith.addi %add3A_161, %mul3A_160 : i32
      %mul3A_163 = arith.constant 4096 : i32
      %mul3A_164 = arith.muli %add3A_162, %mul3A_163 : i32
      %add3A_165 = arith.addi %mul3A_0, %mul3A_164 : i32
      %rem3A = arith.constant 2 : i32
      %rem3A_166 = arith.remsi %add3A_162, %rem3A : i32
      %mul3A_167 = arith.constant 4096 : i32
      %mul3A_168 = arith.muli %rem3A_166, %mul3A_167 : i32
      %parallel_loop3A_169 = arith.constant 0 : i32
      %parallel_loop3A_170 = arith.constant 256 : i32
      %parallel_loop3A_171 = arith.constant 1 : i32
      scf.for %parallel_loop3A_200 = %parallel_loop3A_169 to %parallel_loop3A_170 step %parallel_loop3A_171  : i32 {
        %parallel_loop3A_201 = arith.constant 16 : i32
        %parallel_loop3A_202 = arith.muli %parallel_loop3A_200, %parallel_loop3A_201 : i32
        %parallel_loop3A_203 = arith.addi %mul3A_168, %parallel_loop3A_202 : i32
        %parallel_loop3A_204 = arith.index_cast %parallel_loop3A_203 : i32 to index
        %parallel_loop3A_205 = tpu.vector_load %arg8[%parallel_loop3A_204] {strides = array<i32>} : memref<8192xf32, #tpu.memory_space<vmem>>, vector<16xf32>,
        %parallel_loop3A_206 = arith.index_cast %parallel_loop3A_203 : i32 to index
        %parallel_loop3A_207 = tpu.vector_load %arg9[%parallel_loop3A_206] {strides = array<i32>} : memref<8192xf32, #tpu.memory_space<vmem>>, vector<16xf32>,
        %parallel_loop3A_208 = arith.index_cast %parallel_loop3A_203 : i32 to index
        %parallel_loop3A_209 = tpu.vector_load %arg10[%parallel_loop3A_208] {strides = array<i32>} : memref<8192xf32, #tpu.memory_space<vmem>>, vector<16xf32>,
        %parallel_loop3A_210 = vector.broadcast %select_n3A_58 : f32 to vector<16xf32>
        %parallel_loop3A_211 = arith.mulf %parallel_loop3A_205, %parallel_loop3A_210 : vector<16xf32>
        %parallel_loop3A_212 = vector.broadcast %select_n3A_58 : f32 to vector<16xf32>
        %parallel_loop3A_213 = arith.mulf %parallel_loop3A_207, %parallel_loop3A_212 : vector<16xf32>
        %parallel_loop3A_214 = vector.broadcast %select_n3A_58 : f32 to vector<16xf32>
        %parallel_loop3A_215 = arith.mulf %parallel_loop3A_209, %parallel_loop3A_214 : vector<16xf32>
        %parallel_loop3A_216 = arith.fptosi %parallel_loop3A_211 : vector<16xf32> to vector<16xi32>
        %parallel_loop3A_217 = arith.fptosi %parallel_loop3A_213 : vector<16xf32> to vector<16xi32>
        %parallel_loop3A_218 = arith.fptosi %parallel_loop3A_215 : vector<16xf32> to vector<16xi32>
        %parallel_loop3A_219 = arith.sitofp %parallel_loop3A_216 : vector<16xi32> to vector<16xf32>
        %parallel_loop3A_220 = arith.subf %parallel_loop3A_211, %parallel_loop3A_219 : vector<16xf32>
        %parallel_loop3A_221 = arith.sitofp %parallel_loop3A_217 : vector<16xi32> to vector<16xf32>
        %parallel_loop3A_222 = arith.subf %parallel_loop3A_213, %parallel_loop3A_221 : vector<16xf32>
        %parallel_loop3A_223 = arith.sitofp %parallel_loop3A_218 : vector<16xi32> to vector<16xf32>
        %parallel_loop3A_224 = arith.subf %parallel_loop3A_215, %parallel_loop3A_223 : vector<16xf32>
        %parallel_loop3A_225 = arith.constant -1640531535 : i32
        %parallel_loop3A_226 = vector.broadcast %parallel_loop3A_225 : i32 to vector<16xi32>
        %parallel_loop3A_227 = arith.muli %parallel_loop3A_217, %parallel_loop3A_226 : vector<16xi32>
        %parallel_loop3A_228 = arith.constant -1640531535 : i32
        %parallel_loop3A_229 = vector.broadcast %parallel_loop3A_228 : i32 to vector<16xi32>
        %parallel_loop3A_230 = arith.addi %parallel_loop3A_227, %parallel_loop3A_229 : vector<16xi32>
        %parallel_loop3A_231 = arith.constant 805459861 : i32
        %parallel_loop3A_232 = vector.broadcast %parallel_loop3A_231 : i32 to vector<16xi32>
        %parallel_loop3A_233 = arith.muli %parallel_loop3A_218, %parallel_loop3A_232 : vector<16xi32>
        %parallel_loop3A_234 = arith.constant 805459861 : i32
        %parallel_loop3A_235 = vector.broadcast %parallel_loop3A_234 : i32 to vector<16xi32>
        %parallel_loop3A_236 = arith.addi %parallel_loop3A_233, %parallel_loop3A_235 : vector<16xi32>
        %parallel_loop3A_237 = arith.constant 1 : i32
        %parallel_loop3A_238 = vector.broadcast %parallel_loop3A_237 : i32 to vector<16xi32>
        %parallel_loop3A_239 = arith.addi %parallel_loop3A_216, %parallel_loop3A_238 : vector<16xi32>
        %parallel_loop3A_240 = arith.xori %parallel_loop3A_227, %parallel_loop3A_233 : vector<16xi32>
        %parallel_loop3A_241 = arith.constant 16383 : i32
        %parallel_loop3A_242 = vector.broadcast %parallel_loop3A_241 : i32 to vector<16xi32>
        %parallel_loop3A_243 = arith.andi %parallel_loop3A_240, %parallel_loop3A_242 : vector<16xi32>
        %parallel_loop3A_244 = arith.xori %parallel_loop3A_227, %parallel_loop3A_236 : vector<16xi32>
        %parallel_loop3A_245 = arith.constant 16383 : i32
        %parallel_loop3A_246 = vector.broadcast %parallel_loop3A_245 : i32 to vector<16xi32>
        %parallel_loop3A_247 = arith.andi %parallel_loop3A_244, %parallel_loop3A_246 : vector<16xi32>
        %parallel_loop3A_248 = arith.xori %parallel_loop3A_230, %parallel_loop3A_233 : vector<16xi32>
        %parallel_loop3A_249 = arith.constant 16383 : i32
        %parallel_loop3A_250 = vector.broadcast %parallel_loop3A_249 : i32 to vector<16xi32>
        %parallel_loop3A_251 = arith.andi %parallel_loop3A_248, %parallel_loop3A_250 : vector<16xi32>
        %parallel_loop3A_252 = arith.xori %parallel_loop3A_230, %parallel_loop3A_236 : vector<16xi32>
        %parallel_loop3A_253 = arith.constant 16383 : i32
        %parallel_loop3A_254 = vector.broadcast %parallel_loop3A_253 : i32 to vector<16xi32>
        %parallel_loop3A_255 = arith.andi %parallel_loop3A_252, %parallel_loop3A_254 : vector<16xi32>
        %parallel_loop3A_256 = arith.xori %parallel_loop3A_216, %parallel_loop3A_243 : vector<16xi32>
        %parallel_loop3A_257 = tpu.vector_load_idx %arg11[%parallel_loop3A_256] : memref<16384xf32, #tpu.memory_space<vmem>>[vector<16xi32>], vector<16xf32>,
        %parallel_loop3A_258 = arith.xori %parallel_loop3A_239, %parallel_loop3A_243 : vector<16xi32>
        %parallel_loop3A_259 = tpu.vector_load_idx %arg11[%parallel_loop3A_258] : memref<16384xf32, #tpu.memory_space<vmem>>[vector<16xi32>], vector<16xf32>,
        %parallel_loop3A_260 = arith.subf %parallel_loop3A_259, %parallel_loop3A_257 : vector<16xf32>
        %parallel_loop3A_261 = arith.mulf %parallel_loop3A_220, %parallel_loop3A_260 : vector<16xf32>
        %parallel_loop3A_262 = arith.addf %parallel_loop3A_257, %parallel_loop3A_261 : vector<16xf32>
        %parallel_loop3A_263 = arith.xori %parallel_loop3A_216, %parallel_loop3A_247 : vector<16xi32>
        %parallel_loop3A_264 = tpu.vector_load_idx %arg11[%parallel_loop3A_263] : memref<16384xf32, #tpu.memory_space<vmem>>[vector<16xi32>], vector<16xf32>,
        %parallel_loop3A_265 = arith.xori %parallel_loop3A_239, %parallel_loop3A_247 : vector<16xi32>
        %parallel_loop3A_266 = tpu.vector_load_idx %arg11[%parallel_loop3A_265] : memref<16384xf32, #tpu.memory_space<vmem>>[vector<16xi32>], vector<16xf32>,
        %parallel_loop3A_267 = arith.subf %parallel_loop3A_266, %parallel_loop3A_264 : vector<16xf32>
        %parallel_loop3A_268 = arith.mulf %parallel_loop3A_220, %parallel_loop3A_267 : vector<16xf32>
        %parallel_loop3A_269 = arith.addf %parallel_loop3A_264, %parallel_loop3A_268 : vector<16xf32>
        %parallel_loop3A_270 = arith.subf %parallel_loop3A_269, %parallel_loop3A_262 : vector<16xf32>
        %parallel_loop3A_271 = arith.mulf %parallel_loop3A_224, %parallel_loop3A_270 : vector<16xf32>
        %parallel_loop3A_272 = arith.addf %parallel_loop3A_262, %parallel_loop3A_271 : vector<16xf32>
        %parallel_loop3A_273 = arith.xori %parallel_loop3A_216, %parallel_loop3A_251 : vector<16xi32>
        %parallel_loop3A_274 = tpu.vector_load_idx %arg11[%parallel_loop3A_273] : memref<16384xf32, #tpu.memory_space<vmem>>[vector<16xi32>], vector<16xf32>,
        %parallel_loop3A_275 = arith.xori %parallel_loop3A_239, %parallel_loop3A_251 : vector<16xi32>
        %parallel_loop3A_276 = tpu.vector_load_idx %arg11[%parallel_loop3A_275] : memref<16384xf32, #tpu.memory_space<vmem>>[vector<16xi32>], vector<16xf32>,
        %parallel_loop3A_277 = arith.subf %parallel_loop3A_276, %parallel_loop3A_274 : vector<16xf32>
        %parallel_loop3A_278 = arith.mulf %parallel_loop3A_220, %parallel_loop3A_277 : vector<16xf32>
        %parallel_loop3A_279 = arith.addf %parallel_loop3A_274, %parallel_loop3A_278 : vector<16xf32>
        %parallel_loop3A_280 = arith.xori %parallel_loop3A_216, %parallel_loop3A_255 : vector<16xi32>
        %parallel_loop3A_281 = tpu.vector_load_idx %arg11[%parallel_loop3A_280] : memref<16384xf32, #tpu.memory_space<vmem>>[vector<16xi32>], vector<16xf32>,
        %parallel_loop3A_282 = arith.xori %parallel_loop3A_239, %parallel_loop3A_255 : vector<16xi32>
        %parallel_loop3A_283 = tpu.vector_load_idx %arg11[%parallel_loop3A_282] : memref<16384xf32, #tpu.memory_space<vmem>>[vector<16xi32>], vector<16xf32>,
        %parallel_loop3A_284 = arith.subf %parallel_loop3A_283, %parallel_loop3A_281 : vector<16xf32>
        %parallel_loop3A_285 = arith.mulf %parallel_loop3A_220, %parallel_loop3A_284 : vector<16xf32>
        %parallel_loop3A_286 = arith.addf %parallel_loop3A_281, %parallel_loop3A_285 : vector<16xf32>
        %parallel_loop3A_287 = arith.subf %parallel_loop3A_286, %parallel_loop3A_279 : vector<16xf32>
        %parallel_loop3A_288 = arith.mulf %parallel_loop3A_224, %parallel_loop3A_287 : vector<16xf32>
        %parallel_loop3A_289 = arith.addf %parallel_loop3A_279, %parallel_loop3A_288 : vector<16xf32>
        %parallel_loop3A_290 = arith.subf %parallel_loop3A_289, %parallel_loop3A_272 : vector<16xf32>
        %parallel_loop3A_291 = arith.mulf %parallel_loop3A_222, %parallel_loop3A_290 : vector<16xf32>
        %parallel_loop3A_292 = arith.addf %parallel_loop3A_272, %parallel_loop3A_291 : vector<16xf32>
        %parallel_loop3A_293 = arith.xori %parallel_loop3A_216, %parallel_loop3A_243 : vector<16xi32>
        %parallel_loop3A_294 = tpu.vector_load_idx %arg12[%parallel_loop3A_293] : memref<16384xf32, #tpu.memory_space<vmem>>[vector<16xi32>], vector<16xf32>,
        %parallel_loop3A_295 = arith.xori %parallel_loop3A_239, %parallel_loop3A_243 : vector<16xi32>
        %parallel_loop3A_296 = tpu.vector_load_idx %arg12[%parallel_loop3A_295] : memref<16384xf32, #tpu.memory_space<vmem>>[vector<16xi32>], vector<16xf32>,
        %parallel_loop3A_297 = arith.subf %parallel_loop3A_296, %parallel_loop3A_294 : vector<16xf32>
        %parallel_loop3A_298 = arith.mulf %parallel_loop3A_220, %parallel_loop3A_297 : vector<16xf32>
        %parallel_loop3A_299 = arith.addf %parallel_loop3A_294, %parallel_loop3A_298 : vector<16xf32>
        %parallel_loop3A_300 = arith.xori %parallel_loop3A_216, %parallel_loop3A_247 : vector<16xi32>
        %parallel_loop3A_301 = tpu.vector_load_idx %arg12[%parallel_loop3A_300] : memref<16384xf32, #tpu.memory_space<vmem>>[vector<16xi32>], vector<16xf32>,
        %parallel_loop3A_302 = arith.xori %parallel_loop3A_239, %parallel_loop3A_247 : vector<16xi32>
        %parallel_loop3A_303 = tpu.vector_load_idx %arg12[%parallel_loop3A_302] : memref<16384xf32, #tpu.memory_space<vmem>>[vector<16xi32>], vector<16xf32>,
        %parallel_loop3A_304 = arith.subf %parallel_loop3A_303, %parallel_loop3A_301 : vector<16xf32>
        %parallel_loop3A_305 = arith.mulf %parallel_loop3A_220, %parallel_loop3A_304 : vector<16xf32>
        %parallel_loop3A_306 = arith.addf %parallel_loop3A_301, %parallel_loop3A_305 : vector<16xf32>
        %parallel_loop3A_307 = arith.subf %parallel_loop3A_306, %parallel_loop3A_299 : vector<16xf32>
        %parallel_loop3A_308 = arith.mulf %parallel_loop3A_224, %parallel_loop3A_307 : vector<16xf32>
        %parallel_loop3A_309 = arith.addf %parallel_loop3A_299, %parallel_loop3A_308 : vector<16xf32>
        %parallel_loop3A_310 = arith.xori %parallel_loop3A_216, %parallel_loop3A_251 : vector<16xi32>
        %parallel_loop3A_311 = tpu.vector_load_idx %arg12[%parallel_loop3A_310] : memref<16384xf32, #tpu.memory_space<vmem>>[vector<16xi32>], vector<16xf32>,
        %parallel_loop3A_312 = arith.xori %parallel_loop3A_239, %parallel_loop3A_251 : vector<16xi32>
        %parallel_loop3A_313 = tpu.vector_load_idx %arg12[%parallel_loop3A_312] : memref<16384xf32, #tpu.memory_space<vmem>>[vector<16xi32>], vector<16xf32>,
        %parallel_loop3A_314 = arith.subf %parallel_loop3A_313, %parallel_loop3A_311 : vector<16xf32>
        %parallel_loop3A_315 = arith.mulf %parallel_loop3A_220, %parallel_loop3A_314 : vector<16xf32>
        %parallel_loop3A_316 = arith.addf %parallel_loop3A_311, %parallel_loop3A_315 : vector<16xf32>
        %parallel_loop3A_317 = arith.xori %parallel_loop3A_216, %parallel_loop3A_255 : vector<16xi32>
        %parallel_loop3A_318 = tpu.vector_load_idx %arg12[%parallel_loop3A_317] : memref<16384xf32, #tpu.memory_space<vmem>>[vector<16xi32>], vector<16xf32>,
        %parallel_loop3A_319 = arith.xori %parallel_loop3A_239, %parallel_loop3A_255 : vector<16xi32>
        %parallel_loop3A_320 = tpu.vector_load_idx %arg12[%parallel_loop3A_319] : memref<16384xf32, #tpu.memory_space<vmem>>[vector<16xi32>], vector<16xf32>,
        %parallel_loop3A_321 = arith.subf %parallel_loop3A_320, %parallel_loop3A_318 : vector<16xf32>
        %parallel_loop3A_322 = arith.mulf %parallel_loop3A_220, %parallel_loop3A_321 : vector<16xf32>
        %parallel_loop3A_323 = arith.addf %parallel_loop3A_318, %parallel_loop3A_322 : vector<16xf32>
        %parallel_loop3A_324 = arith.subf %parallel_loop3A_323, %parallel_loop3A_316 : vector<16xf32>
        %parallel_loop3A_325 = arith.mulf %parallel_loop3A_224, %parallel_loop3A_324 : vector<16xf32>
        %parallel_loop3A_326 = arith.addf %parallel_loop3A_316, %parallel_loop3A_325 : vector<16xf32>
        %parallel_loop3A_327 = arith.subf %parallel_loop3A_326, %parallel_loop3A_309 : vector<16xf32>
        %parallel_loop3A_328 = arith.mulf %parallel_loop3A_222, %parallel_loop3A_327 : vector<16xf32>
        %parallel_loop3A_329 = arith.addf %parallel_loop3A_309, %parallel_loop3A_328 : vector<16xf32>
        %parallel_loop3A_330 = arith.constant 32 : i32
        %parallel_loop3A_331 = arith.muli %parallel_loop3A_200, %parallel_loop3A_330 : i32
        %parallel_loop3A_332 = vector.broadcast %parallel_loop3A_331 : i32 to vector<16xi32>
        %parallel_loop3A_333 = arith.addi %mul3A_61, %parallel_loop3A_332 : vector<16xi32>
        tpu.vector_store_idx %arg13[%parallel_loop3A_333], %parallel_loop3A_292 : memref<8192xf32, #tpu.memory_space<vmem>>[vector<16xi32>], vector<16xf32>,
        %parallel_loop3A_334 = arith.constant 1 : i32
        %parallel_loop3A_335 = vector.broadcast %parallel_loop3A_334 : i32 to vector<16xi32>
        %parallel_loop3A_336 = arith.addi %parallel_loop3A_333, %parallel_loop3A_335 : vector<16xi32>
        tpu.vector_store_idx %arg13[%parallel_loop3A_336], %parallel_loop3A_329 : memref<8192xf32, #tpu.memory_space<vmem>>[vector<16xi32>], vector<16xf32>,
      } {sc.loop_unroll_factor = 6 : i64, sc.parallel_access}
      %lt3A = arith.constant 31 : i32
      %lt3A_172 = arith.cmpi slt, %add3A_162, %lt3A : i32
      %convert_element_type3A = arith.extui %lt3A_172 : i1 to i32
      %cond3A = arith.constant 0 : i32
      %cond3A_173 = arith.cmpi ne, %convert_element_type3A, %cond3A : i32
      scf.if %cond3A_173 {
        %add3A_200 = arith.constant 4096 : i32
        %add3A_201 = arith.addi %add3A_165, %add3A_200 : i32
        %sub3A = arith.constant 1 : i32
        %sub3A_202 = arith.subi %sub3A, %rem3A_166 : i32
        %mul3A_203 = arith.constant 4096 : i32
        %mul3A_204 = arith.muli %sub3A_202, %mul3A_203 : i32
        %dma_wait3A_205 = tpu.memref_slice %arg8[%mul3A_204] : memref<8192xf32, #tpu.memory_space<vmem>> -> memref<4096xf32, #tpu.memory_space<vmem>>
        %dma_wait3A_206 = tpu.memref_slice %arg2[%add3A_201] : memref<262144xf32, #tpu.memory_space<hbm>> -> memref<4096xf32, #tpu.memory_space<hbm>>
        %dma_wait3A_207 = tpu.memref_slice %arg8[%mul3A_204] : memref<8192xf32, #tpu.memory_space<vmem>> -> memref<4096xf32, #tpu.memory_space<vmem>>
        %dma_wait3A_208 = tpu.memref_slice %arg2[%add3A_201] : memref<262144xf32, #tpu.memory_space<hbm>> -> memref<4096xf32, #tpu.memory_space<hbm>>
        tpu.wait_dma2 semaphore(%arg17 : memref<!tpu.dma_semaphore, #tpu.memory_space<semaphore_mem>>) src(%dma_wait3A_208 : memref<4096xf32, #tpu.memory_space<hbm>>) dst(%dma_wait3A_207 : memref<4096xf32, #tpu.memory_space<vmem>>)
        %add3A_209 = arith.constant 4096 : i32
        %add3A_210 = arith.addi %add3A_165, %add3A_209 : i32
        %sub3A_211 = arith.constant 1 : i32
        %sub3A_212 = arith.subi %sub3A_211, %rem3A_166 : i32
        %mul3A_213 = arith.constant 4096 : i32
        %mul3A_214 = arith.muli %sub3A_212, %mul3A_213 : i32
        %dma_wait3A_215 = tpu.memref_slice %arg9[%mul3A_214] : memref<8192xf32, #tpu.memory_space<vmem>> -> memref<4096xf32, #tpu.memory_space<vmem>>
        %dma_wait3A_216 = tpu.memref_slice %arg3[%add3A_210] : memref<262144xf32, #tpu.memory_space<hbm>> -> memref<4096xf32, #tpu.memory_space<hbm>>
        %dma_wait3A_217 = tpu.memref_slice %arg9[%mul3A_214] : memref<8192xf32, #tpu.memory_space<vmem>> -> memref<4096xf32, #tpu.memory_space<vmem>>
        %dma_wait3A_218 = tpu.memref_slice %arg3[%add3A_210] : memref<262144xf32, #tpu.memory_space<hbm>> -> memref<4096xf32, #tpu.memory_space<hbm>>
        tpu.wait_dma2 semaphore(%arg17 : memref<!tpu.dma_semaphore, #tpu.memory_space<semaphore_mem>>) src(%dma_wait3A_218 : memref<4096xf32, #tpu.memory_space<hbm>>) dst(%dma_wait3A_217 : memref<4096xf32, #tpu.memory_space<vmem>>)
        %add3A_219 = arith.constant 4096 : i32
        %add3A_220 = arith.addi %add3A_165, %add3A_219 : i32
        %sub3A_221 = arith.constant 1 : i32
        %sub3A_222 = arith.subi %sub3A_221, %rem3A_166 : i32
        %mul3A_223 = arith.constant 4096 : i32
        %mul3A_224 = arith.muli %sub3A_222, %mul3A_223 : i32
        %dma_wait3A_225 = tpu.memref_slice %arg10[%mul3A_224] : memref<8192xf32, #tpu.memory_space<vmem>> -> memref<4096xf32, #tpu.memory_space<vmem>>
        %dma_wait3A_226 = tpu.memref_slice %arg4[%add3A_220] : memref<262144xf32, #tpu.memory_space<hbm>> -> memref<4096xf32, #tpu.memory_space<hbm>>
        %dma_wait3A_227 = tpu.memref_slice %arg10[%mul3A_224] : memref<8192xf32, #tpu.memory_space<vmem>> -> memref<4096xf32, #tpu.memory_space<vmem>>
        %dma_wait3A_228 = tpu.memref_slice %arg4[%add3A_220] : memref<262144xf32, #tpu.memory_space<hbm>> -> memref<4096xf32, #tpu.memory_space<hbm>>
        tpu.wait_dma2 semaphore(%arg17 : memref<!tpu.dma_semaphore, #tpu.memory_space<semaphore_mem>>) src(%dma_wait3A_228 : memref<4096xf32, #tpu.memory_space<hbm>>) dst(%dma_wait3A_227 : memref<4096xf32, #tpu.memory_space<vmem>>)
      } else {
      }
      %lt3A_174 = arith.constant 30 : i32
      %lt3A_175 = arith.cmpi slt, %add3A_162, %lt3A_174 : i32
      %convert_element_type3A_176 = arith.extui %lt3A_175 : i1 to i32
      %cond3A_177 = arith.constant 0 : i32
      %cond3A_178 = arith.cmpi ne, %convert_element_type3A_176, %cond3A_177 : i32
      scf.if %cond3A_178 {
        %add3A_200 = arith.constant 8192 : i32
        %add3A_201 = arith.addi %add3A_165, %add3A_200 : i32
        %mul3A_202 = arith.constant 4096 : i32
        %mul3A_203 = arith.muli %rem3A_166, %mul3A_202 : i32
        %dma_start3A_204 = tpu.memref_slice %arg8[%mul3A_203] : memref<8192xf32, #tpu.memory_space<vmem>> -> memref<4096xf32, #tpu.memory_space<vmem>>
        %dma_start3A_205 = tpu.memref_slice %arg2[%add3A_201] : memref<262144xf32, #tpu.memory_space<hbm>> -> memref<4096xf32, #tpu.memory_space<hbm>>
        %dma_start3A_206 = tpu.memref_slice %arg8[%mul3A_203] : memref<8192xf32, #tpu.memory_space<vmem>> -> memref<4096xf32, #tpu.memory_space<vmem>>
        %dma_start3A_207 = tpu.memref_slice %arg2[%add3A_201] : memref<262144xf32, #tpu.memory_space<hbm>> -> memref<4096xf32, #tpu.memory_space<hbm>>
        tpu.enqueue_dma source(%dma_start3A_207 : memref<4096xf32, #tpu.memory_space<hbm>>) target(%dma_start3A_206 : memref<4096xf32, #tpu.memory_space<vmem>>) target_semaphore(%arg17 : memref<!tpu.dma_semaphore, #tpu.memory_space<semaphore_mem>>)
        %add3A_208 = arith.constant 8192 : i32
        %add3A_209 = arith.addi %add3A_165, %add3A_208 : i32
        %mul3A_210 = arith.constant 4096 : i32
        %mul3A_211 = arith.muli %rem3A_166, %mul3A_210 : i32
        %dma_start3A_212 = tpu.memref_slice %arg9[%mul3A_211] : memref<8192xf32, #tpu.memory_space<vmem>> -> memref<4096xf32, #tpu.memory_space<vmem>>
        %dma_start3A_213 = tpu.memref_slice %arg3[%add3A_209] : memref<262144xf32, #tpu.memory_space<hbm>> -> memref<4096xf32, #tpu.memory_space<hbm>>
        %dma_start3A_214 = tpu.memref_slice %arg9[%mul3A_211] : memref<8192xf32, #tpu.memory_space<vmem>> -> memref<4096xf32, #tpu.memory_space<vmem>>
        %dma_start3A_215 = tpu.memref_slice %arg3[%add3A_209] : memref<262144xf32, #tpu.memory_space<hbm>> -> memref<4096xf32, #tpu.memory_space<hbm>>
        tpu.enqueue_dma source(%dma_start3A_215 : memref<4096xf32, #tpu.memory_space<hbm>>) target(%dma_start3A_214 : memref<4096xf32, #tpu.memory_space<vmem>>) target_semaphore(%arg17 : memref<!tpu.dma_semaphore, #tpu.memory_space<semaphore_mem>>)
        %add3A_216 = arith.constant 8192 : i32
        %add3A_217 = arith.addi %add3A_165, %add3A_216 : i32
        %mul3A_218 = arith.constant 4096 : i32
        %mul3A_219 = arith.muli %rem3A_166, %mul3A_218 : i32
        %dma_start3A_220 = tpu.memref_slice %arg10[%mul3A_219] : memref<8192xf32, #tpu.memory_space<vmem>> -> memref<4096xf32, #tpu.memory_space<vmem>>
        %dma_start3A_221 = tpu.memref_slice %arg4[%add3A_217] : memref<262144xf32, #tpu.memory_space<hbm>> -> memref<4096xf32, #tpu.memory_space<hbm>>
        %dma_start3A_222 = tpu.memref_slice %arg10[%mul3A_219] : memref<8192xf32, #tpu.memory_space<vmem>> -> memref<4096xf32, #tpu.memory_space<vmem>>
        %dma_start3A_223 = tpu.memref_slice %arg4[%add3A_217] : memref<262144xf32, #tpu.memory_space<hbm>> -> memref<4096xf32, #tpu.memory_space<hbm>>
        tpu.enqueue_dma source(%dma_start3A_223 : memref<4096xf32, #tpu.memory_space<hbm>>) target(%dma_start3A_222 : memref<4096xf32, #tpu.memory_space<vmem>>) target_semaphore(%arg17 : memref<!tpu.dma_semaphore, #tpu.memory_space<semaphore_mem>>)
      } else {
      }
      %gt3A = arith.constant 0 : i32
      %gt3A_179 = arith.cmpi sgt, %add3A_162, %gt3A : i32
      %convert_element_type3A_180 = arith.extui %gt3A_179 : i1 to i32
      %cond3A_181 = arith.constant 0 : i32
      %cond3A_182 = arith.cmpi ne, %convert_element_type3A_180, %cond3A_181 : i32
      scf.if %cond3A_182 {
        %mul3A_200 = arith.constant 512 : i32
        %mul3A_201 = arith.muli %arg1, %mul3A_200 : i32
        %dma_wait3A_202 = arith.constant 0 : i32
        %dma_wait3A_203 = tpu.memref_slice %arg16[%dma_wait3A_202, %mul3A_201] : memref<16x8192xf32, #tpu.memory_space<vmem_shared>> -> memref<16x512xf32, #tpu.memory_space<vmem_shared>>
        %dma_wait3A_204 = arith.constant 0 : i32
        %dma_wait3A_205 = tpu.memref_slice %arg16[%dma_wait3A_204, %mul3A_201] : memref<16x8192xf32, #tpu.memory_space<vmem_shared>> -> memref<16x512xf32, #tpu.memory_space<vmem_shared>>
        tpu.wait_dma2 semaphore(%arg18 : memref<!tpu.dma_semaphore, #tpu.memory_space<semaphore_mem>>) src(%dma_wait3A_205 : memref<16x512xf32, #tpu.memory_space<vmem_shared>>) dst(%arg14 : memref<16x512xf32, #tpu.memory_space<vmem>>)
      } else {
      }
      %barrier3A = arith.constant 0 : index
      tpu.barrier barrier_id(%barrier3A)
      %gt3A_183 = arith.constant 1 : i32
      %gt3A_184 = arith.cmpi sgt, %add3A_162, %gt3A_183 : i32
      %convert_element_type3A_185 = arith.extui %gt3A_184 : i1 to i32
      %cond3A_186 = arith.constant 0 : i32
      %cond3A_187 = arith.cmpi ne, %convert_element_type3A_185, %cond3A_186 : i32
      scf.if %cond3A_187 {
        %mul3A_200 = arith.constant 256 : i32
        %mul3A_201 = arith.muli %arg1, %mul3A_200 : i32
        %add3A_202 = arith.addi %add3A_165, %mul3A_201 : i32
        %dma_wait3A_203 = arith.constant 0 : i32
        %dma_wait3A_204 = tpu.memref_slice %arg7[%add3A_202, %dma_wait3A_203] : memref<262144x32xf32, #tpu.memory_space<hbm>> -> memref<256x32xf32, #tpu.memory_space<hbm>>
        %dma_wait3A_205 = arith.constant 0 : i32
        %dma_wait3A_206 = tpu.memref_slice %arg7[%add3A_202, %dma_wait3A_205] : memref<262144x32xf32, #tpu.memory_space<hbm>> -> memref<256x32xf32, #tpu.memory_space<hbm>>
        tpu.wait_dma2 semaphore(%arg19 : memref<!tpu.dma_semaphore, #tpu.memory_space<semaphore_mem>>) src(%arg15 : memref<256x32xf32, #tpu.memory_space<vmem>>) dst(%dma_wait3A_206 : memref<256x32xf32, #tpu.memory_space<hbm>>)
      } else {
      }
      %gt3A_188 = arith.constant 0 : i32
      %gt3A_189 = arith.cmpi sgt, %add3A_162, %gt3A_188 : i32
      %convert_element_type3A_190 = arith.extui %gt3A_189 : i1 to i32
      %cond3A_191 = arith.constant 0 : i32
      %cond3A_192 = arith.cmpi ne, %convert_element_type3A_190, %cond3A_191 : i32
      scf.if %cond3A_192 {
        %parallel_loop3A_200 = arith.constant 0 : i32
        %parallel_loop3A_201 = arith.constant 256 : i32
        %parallel_loop3A_202 = arith.constant 1 : i32
        scf.for %parallel_loop3A_211 = %parallel_loop3A_200 to %parallel_loop3A_201 step %parallel_loop3A_202  : i32 {
          %parallel_loop3A_212 = arith.constant 2 : i32
          %parallel_loop3A_213 = arith.muli %parallel_loop3A_211, %parallel_loop3A_212 : i32
          %parallel_loop3A_214 = vector.broadcast %parallel_loop3A_213 : i32 to vector<16xi32>
          %parallel_loop3A_215 = arith.addi %and3A_63, %parallel_loop3A_214 : vector<16xi32>
          %parallel_loop3A_216 = tpu.vector_load_idx %arg14[%shift_right_logical3A_65, %parallel_loop3A_215] : memref<16x512xf32, #tpu.memory_space<vmem>>[vector<16xi32>, vector<16xi32>], vector<16xf32>,
          %parallel_loop3A_217 = tpu.vector_load_idx %arg14[%add3A_67, %parallel_loop3A_215] : memref<16x512xf32, #tpu.memory_space<vmem>>[vector<16xi32>, vector<16xi32>], vector<16xf32>,
          %parallel_loop3A_218 = arith.index_cast %parallel_loop3A_211 : i32 to index
          %parallel_loop3A_219 = arith.constant 0 : index
          %parallel_loop3A_220 = tpu.vector_load %arg15[%parallel_loop3A_218, %parallel_loop3A_219] {strides = array<i32>} : memref<256x32xf32, #tpu.memory_space<vmem>>, vector<16xf32>,
          tpu.vector_store %arg15[%parallel_loop3A_218, %parallel_loop3A_219], %parallel_loop3A_216 {strides = array<i32>} : memref<256x32xf32, #tpu.memory_space<vmem>>, vector<16xf32>,
          %parallel_loop3A_221 = arith.index_cast %parallel_loop3A_211 : i32 to index
          %parallel_loop3A_222 = arith.constant 16 : index
          %parallel_loop3A_223 = tpu.vector_load %arg15[%parallel_loop3A_221, %parallel_loop3A_222] {strides = array<i32>} : memref<256x32xf32, #tpu.memory_space<vmem>>, vector<16xf32>,
          tpu.vector_store %arg15[%parallel_loop3A_221, %parallel_loop3A_222], %parallel_loop3A_217 {strides = array<i32>} : memref<256x32xf32, #tpu.memory_space<vmem>>, vector<16xf32>,
        } {sc.loop_unroll_factor = 4 : i64, sc.parallel_access}
        %sub3A = arith.constant 4096 : i32
        %sub3A_203 = arith.subi %add3A_165, %sub3A : i32
        %mul3A_204 = arith.constant 256 : i32
        %mul3A_205 = arith.muli %arg1, %mul3A_204 : i32
        %add3A_206 = arith.addi %sub3A_203, %mul3A_205 : i32
        %dma_start3A_207 = arith.constant 0 : i32
        %dma_start3A_208 = tpu.memref_slice %arg7[%add3A_206, %dma_start3A_207] : memref<262144x32xf32, #tpu.memory_space<hbm>> -> memref<256x32xf32, #tpu.memory_space<hbm>>
        %dma_start3A_209 = arith.constant 0 : i32
        %dma_start3A_210 = tpu.memref_slice %arg7[%add3A_206, %dma_start3A_209] : memref<262144x32xf32, #tpu.memory_space<hbm>> -> memref<256x32xf32, #tpu.memory_space<hbm>>
        tpu.enqueue_dma source(%arg15 : memref<256x32xf32, #tpu.memory_space<vmem>>) target(%dma_start3A_210 : memref<256x32xf32, #tpu.memory_space<hbm>>) target_semaphore(%arg19 : memref<!tpu.dma_semaphore, #tpu.memory_space<semaphore_mem>>)
      } else {
      }
      "tpu.region"() ({
        %run_scoped3A = tpu.sem_alloc : memref<!tpu.dma_semaphore, #tpu.memory_space<semaphore_mem>>
        %dma_start3A_200 = arith.constant 0 : i32
        %dma_start3A_201 = tpu.memref_slice %arg16[%arg1, %dma_start3A_200] : memref<16x8192xf32, #tpu.memory_space<vmem_shared>> -> memref<1x8192xf32, #tpu.memory_space<vmem_shared>>
        %dma_start3A_202 = tpu.memref_squeeze %dma_start3A_201 : memref<1x8192xf32, #tpu.memory_space<vmem_shared>> -> memref<8192xf32, #tpu.memory_space<vmem_shared>>
        %dma_start3A_203 = arith.constant 0 : i32
        %dma_start3A_204 = tpu.memref_slice %arg16[%arg1, %dma_start3A_203] : memref<16x8192xf32, #tpu.memory_space<vmem_shared>> -> memref<1x8192xf32, #tpu.memory_space<vmem_shared>>
        %dma_start3A_205 = tpu.memref_squeeze %dma_start3A_204 : memref<1x8192xf32, #tpu.memory_space<vmem_shared>> -> memref<8192xf32, #tpu.memory_space<vmem_shared>>
        tpu.enqueue_dma source(%arg13 : memref<8192xf32, #tpu.memory_space<vmem>>) target(%dma_start3A_205 : memref<8192xf32, #tpu.memory_space<vmem_shared>>) target_semaphore(%run_scoped3A : memref<!tpu.dma_semaphore, #tpu.memory_space<semaphore_mem>>)
        %dma_wait3A_206 = arith.constant 0 : i32
        %dma_wait3A_207 = tpu.memref_slice %arg16[%arg1, %dma_wait3A_206] : memref<16x8192xf32, #tpu.memory_space<vmem_shared>> -> memref<1x8192xf32, #tpu.memory_space<vmem_shared>>
        %dma_wait3A_208 = tpu.memref_squeeze %dma_wait3A_207 : memref<1x8192xf32, #tpu.memory_space<vmem_shared>> -> memref<8192xf32, #tpu.memory_space<vmem_shared>>
        %dma_wait3A_209 = arith.constant 0 : i32
        %dma_wait3A_210 = tpu.memref_slice %arg16[%arg1, %dma_wait3A_209] : memref<16x8192xf32, #tpu.memory_space<vmem_shared>> -> memref<1x8192xf32, #tpu.memory_space<vmem_shared>>
        %dma_wait3A_211 = tpu.memref_squeeze %dma_wait3A_210 : memref<1x8192xf32, #tpu.memory_space<vmem_shared>> -> memref<8192xf32, #tpu.memory_space<vmem_shared>>
        tpu.wait_dma2 semaphore(%run_scoped3A : memref<!tpu.dma_semaphore, #tpu.memory_space<semaphore_mem>>) src(%arg13 : memref<8192xf32, #tpu.memory_space<vmem>>) dst(%dma_wait3A_211 : memref<8192xf32, #tpu.memory_space<vmem_shared>>)
        tpu.yield
      }) : () -> ()
      %barrier3A_193 = arith.constant 0 : index
      tpu.barrier barrier_id(%barrier3A_193)
      %mul3A_194 = arith.constant 512 : i32
      %mul3A_195 = arith.muli %arg1, %mul3A_194 : i32
      %dma_start3A_196 = arith.constant 0 : i32
      %dma_start3A_197 = tpu.memref_slice %arg16[%dma_start3A_196, %mul3A_195] : memref<16x8192xf32, #tpu.memory_space<vmem_shared>> -> memref<16x512xf32, #tpu.memory_space<vmem_shared>>
      %dma_start3A_198 = arith.constant 0 : i32
      %dma_start3A_199 = tpu.memref_slice %arg16[%dma_start3A_198, %mul3A_195] : memref<16x8192xf32, #tpu.memory_space<vmem_shared>> -> memref<16x512xf32, #tpu.memory_space<vmem_shared>>
      tpu.enqueue_dma source(%dma_start3A_199 : memref<16x512xf32, #tpu.memory_space<vmem_shared>>) target(%arg14 : memref<16x512xf32, #tpu.memory_space<vmem>>) target_semaphore(%arg18 : memref<!tpu.dma_semaphore, #tpu.memory_space<semaphore_mem>>)
    }
    %scan3A_129 = arith.constant 32 : i32
    %mul3A_130 = arith.constant 512 : i32
    %mul3A_131 = arith.muli %arg1, %mul3A_130 : i32
    %dma_wait3A_132 = arith.constant 0 : i32
    %dma_wait3A_133 = tpu.memref_slice %arg16[%dma_wait3A_132, %mul3A_131] : memref<16x8192xf32, #tpu.memory_space<vmem_shared>> -> memref<16x512xf32, #tpu.memory_space<vmem_shared>>
    %dma_wait3A_134 = arith.constant 0 : i32
    %dma_wait3A_135 = tpu.memref_slice %arg16[%dma_wait3A_134, %mul3A_131] : memref<16x8192xf32, #tpu.memory_space<vmem_shared>> -> memref<16x512xf32, #tpu.memory_space<vmem_shared>>
    tpu.wait_dma2 semaphore(%arg18 : memref<!tpu.dma_semaphore, #tpu.memory_space<semaphore_mem>>) src(%dma_wait3A_135 : memref<16x512xf32, #tpu.memory_space<vmem_shared>>) dst(%arg14 : memref<16x512xf32, #tpu.memory_space<vmem>>)
    %mul3A_136 = arith.constant 256 : i32
    %mul3A_137 = arith.muli %arg1, %mul3A_136 : i32
    %add3A_138 = arith.addi %mul3A_0, %mul3A_137 : i32
    %dma_wait3A_139 = arith.constant 0 : i32
    %dma_wait3A_140 = tpu.memref_slice %arg7[%add3A_138, %dma_wait3A_139] : memref<262144x32xf32, #tpu.memory_space<hbm>> -> memref<256x32xf32, #tpu.memory_space<hbm>>
    %dma_wait3A_141 = arith.constant 0 : i32
    %dma_wait3A_142 = tpu.memref_slice %arg7[%add3A_138, %dma_wait3A_141] : memref<262144x32xf32, #tpu.memory_space<hbm>> -> memref<256x32xf32, #tpu.memory_space<hbm>>
    tpu.wait_dma2 semaphore(%arg19 : memref<!tpu.dma_semaphore, #tpu.memory_space<semaphore_mem>>) src(%arg15 : memref<256x32xf32, #tpu.memory_space<vmem>>) dst(%dma_wait3A_142 : memref<256x32xf32, #tpu.memory_space<hbm>>)
    %parallel_loop3A = arith.constant 0 : i32
    %parallel_loop3A_143 = arith.constant 256 : i32
    %parallel_loop3A_144 = arith.constant 1 : i32
    scf.for %parallel_loop3A_158 = %parallel_loop3A to %parallel_loop3A_143 step %parallel_loop3A_144  : i32 {
      %parallel_loop3A_159 = arith.constant 2 : i32
      %parallel_loop3A_160 = arith.muli %parallel_loop3A_158, %parallel_loop3A_159 : i32
      %parallel_loop3A_161 = vector.broadcast %parallel_loop3A_160 : i32 to vector<16xi32>
      %parallel_loop3A_162 = arith.addi %and3A_63, %parallel_loop3A_161 : vector<16xi32>
      %parallel_loop3A_163 = tpu.vector_load_idx %arg14[%shift_right_logical3A_65, %parallel_loop3A_162] : memref<16x512xf32, #tpu.memory_space<vmem>>[vector<16xi32>, vector<16xi32>], vector<16xf32>,
      %parallel_loop3A_164 = tpu.vector_load_idx %arg14[%add3A_67, %parallel_loop3A_162] : memref<16x512xf32, #tpu.memory_space<vmem>>[vector<16xi32>, vector<16xi32>], vector<16xf32>,
      %parallel_loop3A_165 = arith.index_cast %parallel_loop3A_158 : i32 to index
      %parallel_loop3A_166 = arith.constant 0 : index
      %parallel_loop3A_167 = tpu.vector_load %arg15[%parallel_loop3A_165, %parallel_loop3A_166] {strides = array<i32>} : memref<256x32xf32, #tpu.memory_space<vmem>>, vector<16xf32>,
      tpu.vector_store %arg15[%parallel_loop3A_165, %parallel_loop3A_166], %parallel_loop3A_163 {strides = array<i32>} : memref<256x32xf32, #tpu.memory_space<vmem>>, vector<16xf32>,
      %parallel_loop3A_168 = arith.index_cast %parallel_loop3A_158 : i32 to index
      %parallel_loop3A_169 = arith.constant 16 : index
      %parallel_loop3A_170 = tpu.vector_load %arg15[%parallel_loop3A_168, %parallel_loop3A_169] {strides = array<i32>} : memref<256x32xf32, #tpu.memory_space<vmem>>, vector<16xf32>,
      tpu.vector_store %arg15[%parallel_loop3A_168, %parallel_loop3A_169], %parallel_loop3A_164 {strides = array<i32>} : memref<256x32xf32, #tpu.memory_space<vmem>>, vector<16xf32>,
    } {sc.loop_unroll_factor = 4 : i64, sc.parallel_access}
    %add3A_145 = arith.constant 126976 : i32
    %add3A_146 = arith.addi %mul3A_0, %add3A_145 : i32
    %mul3A_147 = arith.constant 256 : i32
    %mul3A_148 = arith.muli %arg1, %mul3A_147 : i32
    %add3A_149 = arith.addi %add3A_146, %mul3A_148 : i32
    %dma_start3A_150 = arith.constant 0 : i32
    %dma_start3A_151 = tpu.memref_slice %arg7[%add3A_149, %dma_start3A_150] : memref<262144x32xf32, #tpu.memory_space<hbm>> -> memref<256x32xf32, #tpu.memory_space<hbm>>
    %dma_start3A_152 = arith.constant 0 : i32
    %dma_start3A_153 = tpu.memref_slice %arg7[%add3A_149, %dma_start3A_152] : memref<262144x32xf32, #tpu.memory_space<hbm>> -> memref<256x32xf32, #tpu.memory_space<hbm>>
    tpu.enqueue_dma source(%arg15 : memref<256x32xf32, #tpu.memory_space<vmem>>) target(%dma_start3A_153 : memref<256x32xf32, #tpu.memory_space<hbm>>) target_semaphore(%arg19 : memref<!tpu.dma_semaphore, #tpu.memory_space<semaphore_mem>>)
    %dma_wait3A_154 = arith.constant 0 : i32
    %dma_wait3A_155 = tpu.memref_slice %arg7[%add3A_149, %dma_wait3A_154] : memref<262144x32xf32, #tpu.memory_space<hbm>> -> memref<256x32xf32, #tpu.memory_space<hbm>>
    %dma_wait3A_156 = arith.constant 0 : i32
    %dma_wait3A_157 = tpu.memref_slice %arg7[%add3A_149, %dma_wait3A_156] : memref<262144x32xf32, #tpu.memory_space<hbm>> -> memref<256x32xf32, #tpu.memory_space<hbm>>
    tpu.wait_dma2 semaphore(%arg19 : memref<!tpu.dma_semaphore, #tpu.memory_space<semaphore_mem>>) src(%arg15 : memref<256x32xf32, #tpu.memory_space<vmem>>) dst(%dma_wait3A_157 : memref<256x32xf32, #tpu.memory_space<hbm>>)
    return
  }
}

</mosaic_0001>

<sc_bundles>
// kernel: kernel.3.cloned.1.call-start
scs
__scs_entry_jumppad:
0x0: {  	(pc) =	sbr.rel $0x88, $3  }
0x1: {  	(tag) =	ssettag $0x0;
	lr =	simm.s32 $0x1  }
0x2: {  	[smem:$0x3F9F] =	sst lr;
	_ =	strace $0xD0000000  }
0x3: {  	_ = 	snop  }
0x4: {  	_ = 	snop  }
0x5: {  	_ = 	snop  }
0x6: {  	_ = 	snop  }
0x7: {  	_ = 	snop  }
__scs_overlays_trampoline_lowered:
0x8: {  	[smem:$0x3FAE] =	sst s0  }
0x9: {  	[smem:$0x3FAF] =	sst s1  }
0xa: {  	[smem:$0x3FB0] =	sst s2  }
0xb: {  	[smem:$0x3FB1] =	sst s3  }
0xc: {  	[smem:$0x3FB2] =	sst s4  }
0xd: {  	[smem:$0x3FB3] =	sst s5  }
0xe: {  	[smem:$0x3FB4] =	sst s6  }
0xf: {  	[smem:$0x3FB5] =	sst s7  }
0x10: {  	[smem:$0x3FB6] =	sst s8  }
0x11: {  	[smem:$0x3FB7] =	sst s9;
	s0 =	simm.s32 @!p0 $0x0  }
0x12: {  	s1 =	sld [smem:$0x3F9D];
	s0 =	simm.s32 @p0 $0x1  }
0x13: {  	[smem:$0x3FB8] =	sst s0;
	s0 =	simm.s32 @!p1 $0x0  }
0x14: {  	s2 =	sld [smem:$0x3F9C];
	s0 =	simm.s32 @p1 $0x1  }
0x15: {  	[smem:$0x3FB9] =	sst s0;
	s0 =	simm.s32 @!p2 $0x0  }
0x16: {  	s3 =	sld [smem:$0x3FDB];
	s0 =	simm.s32 @p2 $0x1  }
0x17: {  	s4 =	simm.s32 $0x1BF5;
	[smem:$0x3FBB] =	sst s0  }
0x18: {  	s0 =	sld [smem:$0x3F9E];
	_ =	swait.ge [sflag:s4], $0x0  }
0x19: {  	s7 =	sld [smem:$0x3F9F]  }
0x1a: {  	s8 =	sadd.s32 $0xFFFFE003, lr  }
0x1b: {  	s9 =	sadd.s32 $0xFFFFFEF7, lr;
	s5 =	simm.s32 $0xFFFFFFFF;
	p2 =	slt.u32 s8, $0xFFFFF086  }
0x1c: {  	p1 =	slt.u32 s9, $0xF7A;
	s5 =	simm.s32 @!p2 $0x0  }
0x1d: {  	s5 =	simm.s32 @p1 $0x1;
	p0 =	seq.s32 s7, s2  }
0x1e: {  	s7 =	smul.u32 @!p0 $0xF7A, s2;
	p2 =	seq.s32 @!p0 s5, $0x0  }
0x1f: {  	s9 =	smul.u32 $0xF7A, s1;
	s8 =	simm.s32 @!p0 $0x1BF5;
	p2 =	por !p2, p0  }
0x20: {  	[sflag:s8] =	ssyncset.s32 @!p0 $0xFFFFF086;
	s6 =	sadd.s32 @!p0 s3, s7;
	s7 =	simm.s32 @!p0 $0x108  }
0x21: {  	s3 =	sadd.s32 s3, s9;
	s6 =	sadd.s32 @!p0 $0x88, s6;
	s7 =	simm.s32 @p2 $0x1082  }
0x22: {  	[simem:s7], [sflag:s8] =	dma.local @!p0 [hbm:s6], $0xF7A  }
0x23: {  	s9 =	sor.u32 $0xD0000000, s2;
	s6 =	simm.s32 $0x108;
	_ =	swait.ge @!p0 [sflag:s8], $0x0  }
0x24: {  	s3 =	sadd.s32 $0x88, s3;
	s6 =	simm.s32 @!p1 $0x1082;
	[sflag:s4] =	ssyncset.s32 $0xFFFFF086  }
0x25: {  	[simem:s6], [sflag:s4] =	dma.local [hbm:s3], $0xF7A  }
0x26: {  	[smem:$0x3F9F] =	sst s1;
	(tag) =	ssettag s2;
	_ =	strace s9  }
0x27: {  	s1 =	sld [smem:$0x3FAF]  }
0x28: {  	s2 =	sld [smem:$0x3FB0]  }
0x29: {  	s4 =	sld [smem:$0x3FB2]  }
0x2a: {  	p0 =	seq.s32 s5, $0x0;
	s5 =	sld [smem:$0x3FB3]  }
0x2b: {  	s6 =	sld [smem:$0x3FB4]  }
0x2c: {  	s7 =	sld [smem:$0x3FB5]  }
0x2d: {  	s3 =	simm.s32 $0x108;
	s8 =	sld [smem:$0x3FB6]  }
0x2e: {  	s3 =	simm.s32 @!p0 $0x1082;
	s9 =	sld [smem:$0x3FB7]  }
0x2f: {  	lr =	sadd.s32 s0, s3;
	s0 =	sld [smem:$0x3FAE]  }
0x30: {  	s3 =	sld [smem:$0x3FB1]  }
0x31: {  	[smem:$0x3FBA] =	sst s10  }
0x32: {  	s10 =	sld [smem:$0x3FB8];
	_ =	sdelay $0x3  }
0x33: {  	p0 =	seq.s32 s10, $0x1;
	s10 =	sld [smem:$0x3FBA];
	_ =	sdelay $0x3  }
0x34: {  	[smem:$0x3FBA] =	sst s10  }
0x35: {  	s10 =	sld [smem:$0x3FB9];
	_ =	sdelay $0x3  }
0x36: {  	p1 =	seq.s32 s10, $0x1;
	s10 =	sld [smem:$0x3FBA];
	_ =	sdelay $0x3  }
0x37: {  	[smem:$0x3FBA] =	sst s10  }
0x38: {  	s10 =	sld [smem:$0x3FBB]  }
0x39: {  	_ = 	snop;
	(pc) =	sbr.ind lr, $3  }
0x3a: {  	_ = 	snop  }
0x3b: {  	_ = 	snop  }
0x3c: {  	p2 =	seq.s32 s10, $0x1;
	s10 =	sld [smem:$0x3FBA]  }
0x3d: {  	_ =	shalt  }
0x3e: {  	_ =	shalt  }
0x3f: {  	_ =	shalt  }
0x40: {  	_ =	shalt  }
0x41: {  	_ =	shalt  }
0x42: {  	_ =	shalt  }
0x43: {  	_ =	shalt  }
0x44: {  	_ =	shalt  }
0x45: {  	_ =	shalt  }
0x46: {  	_ =	shalt  }
0x47: {  	_ =	shalt  }
0x48: {  	_ =	shalt  }
0x49: {  	_ =	shalt  }
0x4a: {  	_ =	shalt  }
0x4b: {  	_ =	shalt  }
0x4c: {  	_ =	shalt  }
0x4d: {  	_ =	shalt  }
0x4e: {  	_ =	shalt  }
0x4f: {  	_ =	shalt  }
0x50: {  	_ =	shalt  }
0x51: {  	_ =	shalt  }
0x52: {  	_ =	shalt  }
0x53: {  	_ =	shalt  }
0x54: {  	_ =	shalt  }
0x55: {  	_ =	shalt  }
0x56: {  	_ =	shalt  }
0x57: {  	_ =	shalt  }
0x58: {  	_ =	shalt  }
0x59: {  	_ =	shalt  }
0x5a: {  	_ =	shalt  }
0x5b: {  	_ =	shalt  }
0x5c: {  	_ =	shalt  }
0x5d: {  	_ =	shalt  }
0x5e: {  	_ =	shalt  }
0x5f: {  	_ =	shalt  }
0x60: {  	_ =	shalt  }
0x61: {  	_ =	shalt  }
0x62: {  	_ =	shalt  }
0x63: {  	_ =	shalt  }
0x64: {  	_ =	shalt  }
0x65: {  	_ =	shalt  }
0x66: {  	_ =	shalt  }
0x67: {  	_ =	shalt  }
0x68: {  	_ =	shalt  }
0x69: {  	_ =	shalt  }
0x6a: {  	_ =	shalt  }
0x6b: {  	_ =	shalt  }
0x6c: {  	_ =	shalt  }
0x6d: {  	_ =	shalt  }
0x6e: {  	_ =	shalt  }
0x6f: {  	_ =	shalt  }
0x70: {  	_ =	shalt  }
0x71: {  	_ =	shalt  }
0x72: {  	_ =	shalt  }
0x73: {  	_ =	shalt  }
0x74: {  	_ =	shalt  }
0x75: {  	_ =	shalt  }
0x76: {  	_ =	shalt  }
0x77: {  	_ =	shalt  }
0x78: {  	_ =	shalt  }
0x79: {  	_ =	shalt  }
0x7a: {  	_ =	shalt  }
0x7b: {  	_ =	shalt  }
0x7c: {  	_ =	shalt  }
0x7d: {  	_ =	shalt  }
0x7e: {  	_ =	shalt  }
0x7f: {  	_ =	shalt  }
0x80: {  	_ =	shalt  }
0x81: {  	_ =	shalt  }
0x82: {  	_ =	shalt  }
0x83: {  	_ =	shalt  }
0x84: {  	_ =	shalt  }
0x85: {  	_ =	shalt  }
0x86: {  	_ =	shalt  }
0x87: {  	_ =	shalt  }
.Lfunc_end0:
.L_simem_size_0:
called_computation_lowered:
.L_overlay_start_0:
0x88: {  	s2 =	sld [smem:$0x3FD9]  }
0x89: {  	s3 =	sld [smem:$0x3FFE];
	_ =	sdelay $0x1  }
0x8a: {  	s1 =	srdreg.scid  }
0x8b: {  	s0 =	sand.u32 $0x1, s1  }
0x8c: {  	s17 =	sshll.u32 s0, $0xA;
	s2 =	sadd.s32 s3, s2  }
0x8d: {  	s2 =	sadd.s32 s2, s17  }
0x8e: {  	[smem:$0x3FC6] =	sst s2  }
0x8f: {  	_ = 	snop  }
0x90: {  	s2 =	sld [smem:$0x3FD0];
	(tm) =	ssettm $0x1  }
0x91: {  	s18 =	sld [smem:$0x3FFB];
	_ =	sdelay $0x3  }
0x92: {  	_ =	strace s18  }
0x93: {  	s3 =	sld [smem:$0x3FFC];
	_ =	sdelay $0x3  }
0x94: {  	_ =	strace s3  }
0x95: {  	s3 =	sld [smem:$0x3FFD];
	_ =	sdelay $0x3  }
0x96: {  	_ =	strace s3  }
0x97: {  	_ =	strace $0x8FFFFFFF  }
0x98: {  	s19 =	sld [smem:$0x3FDB];
	_ =	sdelay $0x1  }
0x99: {  	s4 =	simm.s32 $_scs_section_size  }
0x9a: {  	s5 =	simm.s32 $_size__tile_overlayer_lowered;
	s6 =	simm.s32 $_tile_overlayer_lowered  }
0x9b: {  	s22 =	simm.s32 $0x1BFF;
	s21 =	sshll.u32 s6, $0x1;
	s3 =	sadd.s32 s4, s19  }
0x9c: {  	s7 =	simm.s32 $0x0;
	s20 =	sshll.u32 s5, $0x1;
	s5 =	sadd.s32 s21, s3  }
0x9d: {  	[timem:s7], [sflag:s22] =	dma.local [hbm:s5], s20  }
0x9e: {  	_ =	swait.ge [sflag:s22], s20  }
0x9f: {  	s4 =	ssub.s32 $0x0, s20;
	[sflag:s22] =	ssyncset.done $0x0  }
0xa0: {  	[sflag:s22] =	ssyncadd.s32 s4;
	_ =	sdelay $0x1  }
0xa1: {  	s23 =	simm.s32 $0x1B8B  }
0xa2: {  	_ =	swait.ge [sflag:s23], $0x1  }
0xa3: {  	[sflag:s23] =	ssyncset.done $0x0  }
0xa4: {  	s25 =	simm.s32 $0x1B8E;
	s24 =	sld [smem:$0x3FFE];
	[sflag:s23] =	ssyncadd.s32 $0xFFFFFFFF  }
0xa5: {  	s26 =	simm.s32 $execute0_lowered;
	[smem:$0x3FD2] =	sst s25  }
0xa6: {  	s5 =	sshll.u32 s26, $0x1;
	_ =	strace $0x80000046;
	[dreg:$0x1] =	wrdreg $0xFFFFFFFF  }
0xa7: {  	s28 =	simm.s32 $_size_execute0_lowered;
	s3 =	sadd.s32 s3, s5;
	[dreg:$0x0] =	wrdreg $0x0  }
0xa8: {  	s5 =	sshll.u32 s28, $0x1;
	[dreg:$0x2] =	wrdreg s3  }
0xa9: {  	[dreg:$0x3] =	wrdreg s5  }
0xaa: {  	[dreg:$0x4] =	wrdreg $0xC0  }
0xab: {  	_ =	task [dreg:s7], $0x5FFFF  }
0xac: {  	[dreg:$0x1] =	wrdreg $0xFFFFFFFF  }
0xad: {  	[dreg:$0x0] =	wrdreg $0x60  }
0xae: {  	[dreg:$0x2] =	wrdreg s24  }
0xaf: {  	[dreg:$0x3] =	wrdreg s2  }
0xb0: {  	[dreg:$0x4] =	wrdreg $0x1A0000  }
0xb1: {  	[dreg:$0x5] =	wrdreg $0x9  }
0xb2: {  	_ =	task.clear_ibuf [dreg:s7], $0x6FFFF;
	_ =	strace $0x90000046  }
0xb3: {  	s29 =	simm.s32 $0x9;
	_ =	strace $0x80000048  }
0xb4: {  	_ =	swait.ge [sflag:s29], $0x1  }
0xb5: {  	[sflag:s29] =	ssyncadd.s32 $0xFFFFFFFF  }
0xb6: {  	_ =	strace $0x90000048  }
0xb7: {  	_ =	sfence  }
0xb8: {  	s30 =	sld [smem:$0x0];
	_ =	sdelay $0x2  }
0xb9: {  	s31 =	sshll.u32 s1, $0xD;
	s1 =	sshrl.u32 s1, $0x2  }
0xba: {  	s3 =	sand.u32 $0x4000, s31;
	s1 =	sadd.s32 s1, s30  }
0xbb: {  	s0 =	sor.u32 s3, s0;
	s1 =	sshll.u32 s1, $0x11  }
0xbc: {  	s0 =	sor.u32 s1, s0  }
0xbd: {  	s0 =	sadd.s32 $0x8F2B, s0  }
0xbe: {  	[sflag:s0] =	ssyncadd.remote.s32 $0x1  }
0xbf: {  	_ =	sfence.sel $0xFFFF  }
0xc0: {  	[dreg:$0x0] =	wrdreg $0xFFFFFFFF;
	(pc) =	sbr.abs _section_cstart, $3  }
0xc1: {  	[dreg:$0x1] =	wrdreg $0xFFFFFFFF  }
0xc2: {  	_ =	task.clear_ibuf [dreg:s7], $0x2FFFF;
	_ =	strace $0x9FFFFFFF  }
0xc3: {  	(tm) =	ssettm $0x7FFFFFFF  }
tec
execute0_lowered:
.L_overlay_start_1:
0x0: {  	(tag) =	ssettag $0x1  }
0x1: {  	s2 =	rddreg [dreg:$0x0]  }
0x2: {  	s4 =	rddreg [dreg:$0x1]  }
0x3: {  	s1 =	rddreg [dreg:$0x2];
	s0 =	simm.s32 $0x0  }
0x4: {  	s5 =	stileid.u32;
	s15 =	srdreg.scid;
	s28 =	simm.s32 $0x10000  }
0x5: {  	[smem:$0x7FF] =	sst s0;
	s12 =	sadd.s32 $0x8C00, s2;
	s13 =	sadd.s32 $0xC00, s2  }
0x6: {  	s3 =	sshrl.u32 s5, $0x3;
	p0 =	seq.s32 s5, $0x1;
	s0 =	simm.f32 $2.000000000e+01  }
0x7: {  	s6 =	sshll.u32 s5, $0x7;
	s14 =	sadd.s32 $0x20C00, s2;
	s25 =	sshll.u32 s5, $0xF  }
0x8: {  	s26 =	sshll.u32 s5, $0xC;
	_ =	strace $0x80000047;
	s0 =	simm.s32 @!p0 $0x41800000  }
0x9: {  	p0 =	seq.s32 s5, $0x2;
	s8 =	sand.u32 $0x380, s6;
	[dreg:$0x5] =	wrdreg s12  }
0xa: {  	s11 =	sshll.u32 s3, $0x11;
	[dreg:$0x6] =	wrdreg s14;
	s29 =	sor.u32 $0xFFF80000, s25  }
0xb: {  	s3 =	sshll.u32 s3, $0x10;
	s25 =	simm.s32 $0xA000;
	s0 =	simm.s32 @p0 $0x41C80000  }
0xc: {  	p0 =	seq.s32 s5, $0x3;
	s6 =	sor.u32 s8, s11;
	s8 =	sadd.s32 s8, s1  }
0xd: {  	[dreg:$0x10] =	wrdreg s29;
	s1 =	sadd.s32 s26, s1;
	s0 =	simm.s32 @p0 $0x42000000  }
0xe: {  	p0 =	seq.s32 s5, $0x4;
	s6 =	sshrl.u32 s6, $0x3;
	s3 =	sadd.s32 s3, s8  }
0xf: {  	[dreg:$0x12] =	wrdreg s1;
	s1 =	simm.s32 $0x0;
	s0 =	simm.s32 @p0 $0x42200000  }
0x10: {  	p0 =	seq.s32 s5, $0x5;
	s9 =	sadd.s32 s6, s2;
	s2 =	sand.u32 $0x1, s15  }
0x11: {  	[dreg:$0x11] =	wrdreg s3;
	s3 =	simm.s32 $0xE000;
	s0 =	simm.s32 @p0 $0x42480000  }
0x12: {  	p0 =	seq.s32 s5, $0x6;
	s7 =	ssub.s32 $0x2, s2;
	s16 =	sshll.u32 s2, $0x11  }
0x13: {  	s17 =	sadd.s32 $0x18C00, s9;
	s18 =	sadd.s32 $0x10C00, s9;
	s19 =	sshll.u32 s2, $0xE  }
0x14: {  	s2 =	sshll.u32 s2, $0x15;
	s0 =	simm.s32 @p0 $0x42800000;
	[dreg:$0x7] =	wrdreg s16  }
0x15: {  	p0 =	seq.s32 s5, $0x7;
	s10 =	sshrl.u32 s7, $0x1;
	[dreg:$0x8] =	wrdreg s17  }
0x16: {  	[dreg:$0x9] =	wrdreg s18;
	s20 =	sadd.s32 s12, s19;
	s21 =	sadd.s32 s13, s19  }
0x17: {  	s11 =	sor.u32 $0x200, s19;
	s22 =	sadd.s32 s4, s19;
	s18 =	smov.u32 s13  }
0x18: {  	s2 =	sadd.s32 s2, s14;
	s0 =	simm.s32 @p0 $0x42A00000;
	[dreg:$0xa] =	wrdreg s20  }
0x19: {  	p0 =	seq.s32 s5, $0x8;
	s10 =	ssub.s32 s7, s10;
	[dreg:$0xb] =	wrdreg s21  }
0x1a: {  	[dreg:$0xc] =	wrdreg s22;
	s0 =	simm.s32 @p0 $0x42CA0000;
	p0 =	seq.s32 s5, $0x9  }
0x1b: {  	s23 =	sadd.s32 s12, s11;
	s0 =	simm.s32 @p0 $0x43000000;
	p0 =	seq.s32 s5, $0xA  }
0x1c: {  	s24 =	sadd.s32 s13, s11;
	s0 =	simm.s32 @p0 $0x43210000;
	p0 =	seq.s32 s5, $0xB  }
0x1d: {  	s4 =	sadd.s32 s4, s11;
	s0 =	simm.s32 @p0 $0x434B0000;
	p0 =	seq.s32 s5, $0xC  }
0x1e: {  	v0 =	vlaneseq.u32;
	s2 =	sadd.s32 s26, s2;
	s0 =	simm.s32 @p0 $0x43800000;
	p0 =	seq.s32 s5, $0xD  }
0x1f: {  	v0 =	vmul.u32 $0x2, v0;
	[dreg:$0xd] =	wrdreg s23;
	s0 =	simm.s32 @p0 $0x43A10000;
	p0 =	seq.s32 s5, $0xE  }
0x20: {  	[dreg:$0xe] =	wrdreg s24;
	s0 =	simm.s32 @p0 $0x43CB0000;
	p0 =	seq.s32 s5, $0xF  }
0x21: {  	[tilespmem:$0x1FFD0] =	vst v0;
	v0 =	vor.u32 $0x1, v0;
	[dreg:$0xf] =	wrdreg s4;
	s30 =	sadd.s32 $0x1F0000, s2;
	s0 =	simm.s32 @p0 $0x44000000  }
0x22: {  	[tilespmem:$0x1FFE0] =	vst v0;
	s4 =	simm.s32 $0x0;
	s31 =	smax.u32 s10, $0x1;
	[dreg:$0x13] =	wrdreg s30;
	v22 =	vmov s0  }
0x23: {  	s23 =	simm.s32 $0x6000;
	s24 =	simm.s32 $0x4;
	[dreg:$0x14] =	wrdreg s31;
	[tilespmem:$0x1FFF0] =	vst v22  }
.LBB2_1:
0x24: {  	[dreg:$0x15] =	wrdreg s1  }
0x25: {  	s0 =	rddreg [dreg:$0x8];
	s12 =	simm.s32 $0x80;
	s2 =	simm.s32 $0x400  }
0x26: {  	[tilespmem:s23], [sflag:$0x4] =	stream.strided.gather [hbm4b:s0+s12], $0x4000, s2, s12, $0x38;
	[tilespmem:$0x1C000] =	vst v63  }
0x27: {  	_ =	swait.ge [sflag:s24], $0x4000  }
0x28: {  	[sflag:s24] =	ssyncset.done $0x0  }
0x29: {  	s13 =	rddreg [dreg:$0x9];
	[sflag:s24] =	ssyncadd.s32 $0xFFFFC000  }
0x2a: {  	[tilespmem:s25], [sflag:$0x4] =	stream.strided.gather [hbm4b:s13+s12], $0x4000, s2, s12, $0x38;
	[tilespmem:$0x1C000] =	vst v63  }
0x2b: {  	_ =	swait.ge [sflag:s24], $0x4000  }
0x2c: {  	[sflag:s24] =	ssyncset.done $0x0  }
0x2d: {  	s15 =	simm.s32 $0x1;
	s14 =	rddreg [dreg:$0xa];
	[sflag:s24] =	ssyncadd.s32 $0xFFFFC000  }
0x2e: {  	[tilespmem:s4], [sflag:$0x1] =	stream.linear.gather [hbm4b:s14+s4], $0x1000, $0x38;
	[tilespmem:$0x1C000] =	vst v63  }
0x2f: {  	_ =	swait.ge [sflag:s15], $0x1000  }
0x30: {  	[sflag:s15] =	ssyncset.done $0x0  }
0x31: {  	s17 =	simm.s32 $0x2000;
	s16 =	rddreg [dreg:$0xb];
	[sflag:s15] =	ssyncadd.s32 $0xFFFFF000  }
0x32: {  	[tilespmem:s17], [sflag:$0x1] =	stream.linear.gather [hbm4b:s16+s4], $0x1000, $0x38;
	[tilespmem:$0x1C000] =	vst v63  }
0x33: {  	_ =	swait.ge [sflag:s15], $0x1000  }
0x34: {  	[sflag:s15] =	ssyncset.done $0x0  }
0x35: {  	s20 =	simm.s32 $0x4000;
	s19 =	rddreg [dreg:$0xc];
	[sflag:s15] =	ssyncadd.s32 $0xFFFFF000  }
0x36: {  	[tilespmem:s20], [sflag:$0x1] =	stream.linear.gather [hbm4b:s19+s4], $0x1000, $0x38;
	[tilespmem:$0x1C000] =	vst v63  }
0x37: {  	_ =	swait.ge [sflag:s15], $0x1000  }
0x38: {  	[sflag:s15] =	ssyncset.done $0x0  }
0x39: {  	s22 =	simm.s32 $0x1000;
	s21 =	rddreg [dreg:$0xd];
	[sflag:s15] =	ssyncadd.s32 $0xFFFFF000  }
0x3a: {  	[tilespmem:s22], [sflag:$0x1] =	stream.linear.gather [hbm4b:s21+s4], $0x1000, $0x38;
	[tilespmem:$0x1C000] =	vst v63  }
.Ltmp0:
0x3b: {  	s29 =	simm.s32 $0x3000;
	s31 =	simm.s32 $0x5000;
	(pc) =	sbr.rel .LBB2_2-.Ltmp0, $4  }
0x3c: {  	p0 =	por $0x0, $0x0;
	s9 =	simm.s32 $0xFC0;
	s26 =	rddreg [dreg:$0xe]  }
0x3d: {  	[tilespmem:s29], [sflag:$0x1] =	stream.linear.gather [hbm4b:s26+s4], $0x1000, $0x38;
	[tilespmem:$0x1C000] =	vst v63  }
0x3e: {  	s10 =	simm.s32 $0x0;
	s11 =	simm.s32 $0x0;
	s30 =	rddreg [dreg:$0xf]  }
0x3f: {  	[tilespmem:s31], [sflag:$0x1] =	stream.linear.gather [hbm4b:s30+s4], $0x1000, $0x38;
	[tilespmem:$0x1C000] =	vst v63  }
.LBB2_7:
0x40: {  	[bflag:$0x0] =	sbarrier.arrive $0xFFFF  }
.LBB2_11:
0x41: {  	s0 =	rddreg [dreg:$0x11]  }
0x42: {  	s1 =	simm.s32 $0x80;
	s2 =	simm.s32 $0x400;
	s11 =	sadd.s32 $0x1, s11  }
0x43: {  	[spmem:s0] =	stream.strided.scatter [tilespmem:s3], [sflag:$0x4], $0x2000, s2, s1, $0x38;
	[tilespmem:$0x1C000] =	vst v63  }
0x44: {  	p1 =	sne.s32 s11, $0x20;
	_ =	swait.ge [sflag:s24], $0x2000  }
.Ltmp1:
0x45: {  	[sflag:s24] =	ssyncset.done $0x0;
	(pc) =	sbr.rel @!p1 .LBB2_12-.Ltmp1, $4  }
0x46: {  	[sflag:s24] =	ssyncadd.s32 $0xFFFFE000  }
0x47: {  	s31 =	simm.s32 $0x1000;
	p0 =	por !p0, !p0;
	[bflag:$0x0] =	sbarrier.arrive $0xFFFF  }
0x48: {  	s10 =	sadd.s32 $0x1000, s10;
	s9 =	sadd.s32 $0x1000, s9;
	s30 =	rddreg [dreg:$0x12]  }
0x49: {  	[tilespmem:s28], [sflag:$0x2] =	stream.strided.gather [spmem:s30], $0x2000, s28, s31, $0x38;
	[tilespmem:$0x1C000] =	vst v63  }
.LBB2_2:
0x4a: {  	s0 =	simm.s32 $0x1  }
0x4b: {  	s0 =	simm.s32 @!p0 $0x0  }
0x4c: {  	s0 =	sshll.u32 s0, $0xC  }
0x4d: {  	[dreg:$0x4] =	wrdreg s0  }
0x4e: {  	s0 =	rddreg [dreg:$0x4]  }
0x4f: {  	s0 =	sadd.s32 $0x50, s0  }
0x50: {  	s1 =	simm.s32 $0x40;
	s2 =	sadd.s32 $0xFFFFFFF0, s0  }
0x51: {  	s1 =	sand.u32 $0x60, s1;
	s2 =	sand.u32 $0x3F80, s2  }
0x52: {  	s1 =	sor.u32 s1, s2  }
0x53: {  	s8 =	simm.s32 $0x20;
	s13 =	simm.s32 $0x30;
	s29 =	sadd.s32 $0xFFFFFFD0, s0;
	v0 =	vld [tilespmem:s1+$0x2000]  }
0x54: {  	s8 =	sand.u32 $0x60, s8;
	s12 =	sadd.s32 $0xFFFFFFE0, s0;
	s2 =	sand.u32 $0x3F80, s29;
	v1 =	vld [tilespmem:s1+$0x4000]  }
0x55: {  	s4 =	sand.u32 $0x70, s13;
	s30 =	sand.u32 $0x3F80, s12;
	s2 =	sor.u32 s8, s2;
	v2 =	vld [tilespmem:s1+$0x0]  }
0x56: {  	s1 =	sor.u32 s4, s30;
	v4 =	vld [tilespmem:s2+$0x2000]  }
0x57: {  	v9 =	vld [tilespmem:s1+$0x4000]  }
0x58: {  	s5 =	simm.s32 $0x50;
	s6 =	sadd.s32 $0x50, s10;
	s15 =	simm.s32 $0x0  }
0x59: {  	s14 =	sadd.s32 $0xFFFFFFB0, s6;
	s13 =	sadd.s32 $0xFFFFFFC0, s6;
	s17 =	sand.u32 $0x60, s15;
	v8 =	vmul.f32 v1, v22;
	v1 =	vld [tilespmem:s1+$0x2000]  }
0x5a: {  	s16 =	sand.u32 $0x1F80, s14;
	s0 =	sand.u32 $0x3F80, s0;
	s12 =	sand.u32 $0x70, s5;
	v3 =	vmul.f32 v0, v22  }
0x5b: {  	s12 =	sor.u32 s12, s0;
	s0 =	sand.u32 $0x1F80, s13;
	s13 =	sor.u32 s17, s16;
	v0 =	vld [tilespmem:s2+$0x4000];
	v2 =	vmul.f32 v2, v22;
	v10 =	vmul.f32 v4, v22  }
0x5c: {  	v14 =	vld [tilespmem:s13+$0x2000];
	v15 =	vmul.f32 v9, v22;
	v5 =	vtrunc.f32 v3  }
0x5d: {  	v4 =	vld [tilespmem:s12+$0x4000];
	v6 =	vtrunc.f32 v8;
	v7 =	vcvt.f32.s32 v5  }
0x5e: {  	s7 =	simm.s32 $0x10;
	v27 =	vcvt.f32.s32 v6;
	v5 =	vld [tilespmem:s12+$0x2000];
	v25 =	vmul.f32 v1, v22  }
0x5f: {  	s8 =	sand.u32 $0x70, s7;
	v6 =	vtrunc.f32 v2;
	v17 =	vtrunc.f32 v10  }
0x60: {  	s0 =	sor.u32 s8, s0;
	v28 =	vcvt.f32.s32 v6;
	v12 =	vmul.u32 $0x9E3779B1, v7;
	v21 =	vmul.f32 v0, v22;
	v0 =	vld [tilespmem:s13+$0x4000];
	[tilespmem:$0x1FE50] =	vst v25  }
0x61: {  	v13 =	vmul.u32 $0x30025795, v27;
	v27 =	vcvt.s32.f32 v27;
	v7 =	vcvt.s32.f32 v7;
	v16 =	vld [tilespmem:s0+$0x2000]  }
0x62: {  	v19 =	vadd.s32 $0x1, v28;
	v9 =	vmul.f32 v4, v22;
	v4 =	vmul.f32 v14, v22  }
0x63: {  	v1 =	vxor.u32 v12, v13;
	v24 =	vadd.s32 $0x30025795, v13;
	v6 =	vmul.f32 v5, v22  }
0x64: {  	v11 =	vmovc v22;
	v14 =	vtrunc.f32 v21;
	v1 =	vand.u32 $0x3FFF, v1;
	v5 =	vxor.u32 v12, v24  }
0x65: {  	v18 =	vld [tilespmem:s0+$0x4000];
	v23 =	vxor.u32 v28, v1;
	v1 =	vxor.u32 v19, v1;
	[tilespmem:$0x1FE60] =	vst v6;
	v22 =	vmul.f32 v0, v22  }
0x66: {  	v0 =	vadd.s32 $0x9E3779B1, v12;
	v12 =	vand.u32 $0x3FFF, v5;
	v29 =	vld [tilespmem:s2+$0x0];
	[tilespmem:$0x1FE70] =	vst v4;
	v5 =	vmul.f32 v16, v11  }
0x67: {  	v8 =	vsub.f32 v8, v27;
	v26 =	vcvt.f32.s32 v14;
	v13 =	vxor.u32 v13, v0;
	v30 =	vld [tilespmem:s1+$0x0]  }
0x68: {  	v33 =	vxor.u32 v28, v12;
	v35 =	vxor.u32 v19, v12;
	v0 =	vxor.u32 v0, v24;
	v31 =	vld [tilespmem:s12+$0x0];
	[tilespmem:$0x1FE80] =	vst v5  }
0x69: {  	v12 =	vtrunc.f32 v25;
	v13 =	vand.u32 $0x3FFF, v13;
	v0 =	vand.u32 $0x3FFF, v0;
	v32 =	vld [tilespmem:s13+$0x0]  }
0x6a: {  	v24 =	vtrunc.f32 v22;
	v20 =	vmul.f32 v18, v11;
	v37 =	vxor.u32 v28, v13;
	v34 =	vld.idx.msk [tilespmem:v23+s23+$0x0], $0xffff  }
0x6b: {  	v16 =	vtrunc.f32 v15;
	v38 =	vxor.u32 v19, v13;
	v13 =	vtrunc.f32 v6;
	v36 =	vld.idx.msk [tilespmem:v1+s23+$0x0], $0xffff  }
0x6c: {  	v43 =	vxor.u32 v19, v0;
	v19 =	vcvt.f32.s32 v17;
	v18 =	vcvt.f32.s32 v12;
	v39 =	vld.idx.msk [tilespmem:v23+s25+$0x0], $0xffff  }
0x6d: {  	v40 =	vxor.u32 v28, v0;
	v28 =	vcvt.s32.f32 v28;
	v6 =	vcvt.f32.s32 v16;
	v41 =	vld.idx.msk [tilespmem:v1+s25+$0x0], $0xffff  }
0x6e: {  	v51 =	vmul.u32 $0x30025795, v26;
	v17 =	vcvt.f32.s32 v13;
	v44 =	vtrunc.f32 v5;
	v42 =	vld.idx.msk [tilespmem:v33+s23+$0x0], $0xffff  }
0x6f: {  	v3 =	vsub.f32 v3, v7;
	v45 =	vtrunc.f32 v20;
	v5 =	vcvt.f32.s32 v24;
	v46 =	vld.idx.msk [tilespmem:v35+s23+$0x0], $0xffff  }
0x70: {  	v58 =	vadd.s32 $0x30025795, v51;
	v1 =	vtrunc.f32 v9;
	v23 =	vtrunc.f32 v4;
	v33 =	vld.idx.msk [tilespmem:v33+s25+$0x0], $0xffff  }
0x71: {  	v49 =	vmul.u32 $0x9E3779B1, v19;
	v12 =	vcvt.f32.s32 v44;
	v24 =	vcvt.f32.s32 v45;
	v35 =	vld.idx.msk [tilespmem:v35+s25+$0x0], $0xffff  }
0x72: {  	v44 =	vmul.u32 $0x9E3779B1, v18;
	v18 =	vcvt.s32.f32 v18;
	v25 =	vcvt.f32.s32 v1;
	v47 =	vld.idx.msk [tilespmem:v37+s23+$0x0], $0xffff  }
0x73: {  	v2 =	vsub.f32 v2, v28;
	v16 =	vcvt.f32.s32 v23;
	v23 =	vmul.f32 v29, v11;
	v48 =	vld.idx.msk [tilespmem:v38+s23+$0x0], $0xffff  }
0x74: {  	v14 =	vmul.f32 v30, v11;
	v29 =	vmul.u32 $0x30025795, v6;
	v30 =	vmul.f32 v31, v11;
	v50 =	vld.idx.msk [tilespmem:v40+s23+$0x0], $0xffff  }
0x75: {  	v31 =	vmul.u32 $0x9E3779B1, v17;
	v53 =	vmul.u32 $0x30025795, v5;
	v57 =	vadd.s32 $0x9E3779B1, v49;
	v52 =	vld.idx.msk [tilespmem:v43+s23+$0x0], $0xffff  }
0x76: {  	v6 =	vcvt.s32.f32 v6;
	v54 =	vmul.u32 $0x9E3779B1, v12;
	v40 =	vld.idx.msk [tilespmem:v40+s25+$0x0], $0xffff;
	v55 =	vmul.u32 $0x30025795, v24  }
0x77: {  	v27 =	vld.idx.msk [tilespmem:v43+s25+$0x0], $0xffff;
	v45 =	vmul.u32 $0x30025795, v25;
	v62 =	vtrunc.f32 v30;
	v13 =	vmul.f32 v32, v11  }
0x78: {  	v32 =	vld.idx.msk [tilespmem:v37+s25+$0x0], $0xffff;
	v37 =	vmul.u32 $0x9E3779B1, v16;
	v28 =	vsub.f32 v36, v34;
	v36 =	vtrunc.f32 v23  }
0x79: {  	v63 =	vsub.f32 v46, v42;
	v41 =	vsub.f32 v41, v39;
	v46 =	vtrunc.f32 v14  }
0x7a: {  	v56 =	vld [tilespmem:s0+$0x0];
	v35 =	vsub.f32 v35, v33;
	v36 =	vcvt.f32.s32 v36;
	v46 =	vcvt.f32.s32 v46  }
0x7b: {  	v38 =	vld.idx.msk [tilespmem:v38+s25+$0x0], $0xffff;
	v48 =	vsub.f32 v48, v47;
	v28 =	vmul.f32 v28, v2;
	v41 =	vmul.f32 v41, v2  }
0x7c: {  	v52 =	vsub.f32 v52, v50;
	v43 =	vmul.f32 v63, v2;
	v35 =	vmul.f32 v35, v2  }
0x7d: {  	v27 =	vsub.f32 v27, v40;
	v63 =	vtrunc.f32 v13;
	v48 =	vmul.f32 v48, v2  }
0x7e: {  	v52 =	vmul.f32 v52, v2;
	v28 =	vadd.f32 v28, v34;
	v59 =	vadd.f32 v41, v39  }
0x7f: {  	v60 =	vadd.f32 v43, v42;
	v33 =	vadd.f32 v35, v33;
	v35 =	vmul.f32 v56, v11  }
0x80: {  	v34 =	vadd.s32 $0x9E3779B1, v31;
	v41 =	vadd.s32 $0x9E3779B1, v37;
	v38 =	vsub.f32 v38, v32  }
0x81: {  	v61 =	vadd.f32 v48, v47;
	v39 =	vsub.f32 v60, v28;
	v56 =	vtrunc.f32 v35  }
0x82: {  	v33 =	vsub.f32 v33, v59;
	v38 =	vmul.f32 v38, v2;
	v2 =	vmul.f32 v27, v2  }
0x83: {  	v48 =	vadd.s32 $0x30025795, v53;
	v60 =	vxor.u32 v49, v51;
	v27 =	vadd.f32 v52, v50  }
0x84: {  	v50 =	vadd.s32 $0x9E3779B1, v54;
	v32 =	vadd.f32 v38, v32;
	v2 =	vadd.f32 v2, v40  }
0x85: {  	v52 =	vadd.s32 $0x30025795, v55;
	v33 =	vmul.f32 v33, v8;
	v27 =	vsub.f32 v27, v61  }
0x86: {  	v39 =	vmul.f32 v39, v8;
	v38 =	vxor.u32 v51, v57;
	v2 =	vsub.f32 v2, v32  }
0x87: {  	v51 =	vadd.s32 $0x1, v36;
	v33 =	vadd.f32 v33, v59;
	v27 =	vmul.f32 v27, v8  }
0x88: {  	v59 =	vadd.s32 $0x30025795, v29;
	v38 =	vand.u32 $0x3FFF, v38;
	v2 =	vmul.f32 v2, v8  }
0x89: {  	v8 =	vadd.f32 v39, v28;
	v27 =	vadd.f32 v27, v61;
	v28 =	vadd.s32 $0x9E3779B1, v44  }
0x8a: {  	v39 =	vadd.s32 $0x30025795, v45;
	v61 =	vxor.u32 v29, v28;
	v28 =	vxor.u32 v28, v59  }
0x8b: {  	v29 =	vxor.u32 v44, v29;
	v2 =	vadd.f32 v2, v32;
	v7 =	vsub.f32 v27, v8  }
0x8c: {  	v27 =	vcvt.f32.s32 v63;
	v63 =	vxor.u32 v44, v59;
	v32 =	vxor.u32 v31, v39  }
0x8d: {  	v44 =	vxor.u32 v45, v34;
	v2 =	vsub.f32 v2, v33;
	v7 =	vmul.f32 v7, v3  }
0x8e: {  	v31 =	vxor.u32 v31, v45;
	v34 =	vxor.u32 v34, v39;
	v39 =	vxor.u32 v53, v41  }
0x8f: {  	v45 =	vxor.u32 v36, v38;
	v2 =	vmul.f32 v2, v3;
	v0 =	vadd.f32 v7, v8  }
0x90: {  	v41 =	vxor.u32 v41, v48;
	v38 =	vxor.u32 v51, v38;
	v47 =	vand.u32 $0x3FFF, v61  }
0x91: {  	v43 =	vand.u32 $0x3FFF, v29;
	[tilespmem:$0x1FEA0] =	vst v0;
	v0 =	vadd.f32 v2, v33;
	v2 =	vxor.u32 v49, v58  }
0x92: {  	v29 =	vcvt.s32.f32 v36;
	v3 =	vcvt.f32.s32 v56;
	v2 =	vand.u32 $0x3FFF, v2  }
0x93: {  	v33 =	vcvt.f32.s32 v62;
	v62 =	vxor.u32 v57, v58;
	v56 =	vxor.u32 v36, v2  }
0x94: {  	v42 =	vand.u32 $0x3FFF, v63;
	v40 =	vand.u32 $0x3FFF, v62;
	v2 =	vxor.u32 v51, v2  }
0x95: {  	v8 =	vld [tilespmem:$0x1FE50];
	v49 =	vxor.u32 v37, v48;
	v37 =	vxor.u32 v37, v53;
	[tilespmem:$0x1FEB0] =	vst v0;
	v53 =	vxor.u32 v36, v40  }
0x96: {  	v4 =	vxor.u32 v46, v47;
	v61 =	vxor.u32 v46, v42;
	v48 =	vxor.u32 v54, v52;
	v59 =	vld.idx.msk [tilespmem:v45+s23+$0x0], $0xffff  }
0x97: {  	v57 =	vxor.u32 v55, v50;
	v50 =	vxor.u32 v50, v52;
	v52 =	vxor.u32 v54, v55;
	v62 =	vld.idx.msk [tilespmem:v38+s23+$0x0], $0xffff  }
0x98: {  	v55 =	vand.u32 $0x3FFF, v28;
	v28 =	vand.u32 $0x3FFF, v60;
	v40 =	vxor.u32 v51, v40;
	v54 =	vld.idx.msk [tilespmem:v56+s23+$0x0], $0xffff  }
0x99: {  	v29 =	vsub.f32 v23, v29;
	v60 =	vadd.s32 $0x1, v46;
	v36 =	vxor.u32 v36, v28;
	v58 =	vld.idx.msk [tilespmem:v2+s23+$0x0], $0xffff  }
0x9a: {  	v51 =	vxor.u32 v51, v28;
	v28 =	vcvt.s32.f32 v46;
	v23 =	vcvt.s32.f32 v33;
	v63 =	vld.idx.msk [tilespmem:v53+s23+$0x0], $0xffff  }
0x9b: {  	v1 =	vcvt.s32.f32 v27;
	v42 =	vxor.u32 v60, v42;
	v47 =	vxor.u32 v60, v47;
	v56 =	vld.idx.msk [tilespmem:v56+s25+$0x0], $0xffff  }
0x9c: {  	v0 =	vcvt.s32.f32 v3;
	v28 =	vsub.f32 v14, v28;
	v23 =	vsub.f32 v30, v23;
	v2 =	vld.idx.msk [tilespmem:v2+s25+$0x0], $0xffff  }
0x9d: {  	v30 =	vxor.u32 v46, v55;
	v55 =	vxor.u32 v60, v55;
	v46 =	vxor.u32 v46, v43;
	v14 =	vld.idx.msk [tilespmem:v40+s23+$0x0], $0xffff  }
0x9e: {  	v45 =	vld.idx.msk [tilespmem:v45+s25+$0x0], $0xffff;
	v60 =	vxor.u32 v60, v43;
	v43 =	vsub.f32 v13, v1;
	v1 =	vsub.f32 v58, v54  }
0x9f: {  	v5 =	vcvt.s32.f32 v5;
	v24 =	vcvt.s32.f32 v24;
	v38 =	vld.idx.msk [tilespmem:v38+s25+$0x0], $0xffff;
	v62 =	vsub.f32 v62, v59  }
0xa0: {  	v13 =	vsub.f32 v35, v0;
	v0 =	vand.u32 $0x3FFF, v32;
	v53 =	vld.idx.msk [tilespmem:v53+s25+$0x0], $0xffff;
	v1 =	vmul.f32 v1, v29  }
0xa1: {  	v35 =	vand.u32 $0x3FFF, v31;
	v40 =	vld.idx.msk [tilespmem:v40+s25+$0x0], $0xffff;
	v32 =	vmul.f32 v62, v29;
	v2 =	vsub.f32 v2, v56  }
0xa2: {  	v14 =	vsub.f32 v14, v63;
	v31 =	vadd.f32 v1, v54;
	v1 =	vadd.s32 $0x1, v33  }
0xa3: {  	v54 =	vxor.u32 v33, v0;
	v58 =	vxor.u32 v1, v0;
	v0 =	vmul.f32 v2, v29  }
0xa4: {  	v44 =	vand.u32 $0x3FFF, v44;
	v34 =	vand.u32 $0x3FFF, v34;
	v32 =	vadd.f32 v32, v59;
	v59 =	vld.idx.msk [tilespmem:v42+s23+$0x0], $0xffff  }
0xa5: {  	v38 =	vsub.f32 v38, v45;
	v14 =	vmul.f32 v14, v29;
	v56 =	vadd.f32 v0, v56;
	v0 =	vld.idx.msk [tilespmem:v61+s23+$0x0], $0xffff  }
0xa6: {  	v18 =	vsub.f32 v8, v18;
	v8 =	vld [tilespmem:$0x1FE60];
	v40 =	vsub.f32 v40, v53;
	v2 =	vcvt.s32.f32 v26  }
0xa7: {  	v14 =	vadd.f32 v14, v63;
	v63 =	vld.idx.msk [tilespmem:v47+s23+$0x0], $0xffff;
	v26 =	vmul.f32 v38, v29;
	v38 =	vxor.u32 v33, v44  }
0xa8: {  	v44 =	vxor.u32 v1, v44;
	v62 =	vsub.f32 v21, v2;
	v21 =	vmul.f32 v40, v29;
	v40 =	vld.idx.msk [tilespmem:v4+s23+$0x0], $0xffff  }
0xa9: {  	v47 =	vld.idx.msk [tilespmem:v47+s25+$0x0], $0xffff;
	v45 =	vadd.f32 v26, v45;
	v2 =	vxor.u32 v33, v35;
	v26 =	vsub.f32 v15, v6  }
0xaa: {  	v33 =	vxor.u32 v33, v34;
	v15 =	vsub.f32 v22, v5;
	v5 =	vld.idx.msk [tilespmem:v55+s23+$0x0], $0xffff;
	v6 =	vsub.f32 v59, v0  }
0xab: {  	v34 =	vxor.u32 v1, v34;
	v22 =	vand.u32 $0x3FFF, v41;
	v41 =	vand.u32 $0x3FFF, v48;
	v48 =	vld.idx.msk [tilespmem:v61+s25+$0x0], $0xffff  }
0xac: {  	v35 =	vxor.u32 v1, v35;
	v1 =	vadd.f32 v21, v53;
	v53 =	vld.idx.msk [tilespmem:v30+s23+$0x0], $0xffff;
	v6 =	vmul.f32 v6, v28  }
0xad: {  	v21 =	vcvt.s32.f32 v25;
	v25 =	vld.idx.msk [tilespmem:v42+s25+$0x0], $0xffff;
	v42 =	vand.u32 $0x3FFF, v52;
	v52 =	vsub.f32 v63, v40  }
0xae: {  	v4 =	vld.idx.msk [tilespmem:v4+s25+$0x0], $0xffff;
	v59 =	vadd.f32 v6, v0;
	v6 =	vsub.f32 v20, v24  }
0xaf: {  	v14 =	vsub.f32 v14, v32;
	v30 =	vld.idx.msk [tilespmem:v30+s25+$0x0], $0xffff  }
0xb0: {  	v19 =	vcvt.s32.f32 v19;
	v39 =	vand.u32 $0x3FFF, v39;
	v0 =	vmul.f32 v52, v28;
	v52 =	vld.idx.msk [tilespmem:v55+s25+$0x0], $0xffff;
	[tilespmem:$0x1FE90] =	vst v6  }
0xb1: {  	v49 =	vand.u32 $0x3FFF, v49;
	v14 =	vmul.f32 v14, v62;
	v1 =	vsub.f32 v1, v45;
	v20 =	vld.idx.msk [tilespmem:v36+s23+$0x0], $0xffff  }
0xb2: {  	v50 =	vand.u32 $0x3FFF, v50;
	v5 =	vsub.f32 v5, v53;
	v24 =	vadd.f32 v0, v40;
	v0 =	vld.idx.msk [tilespmem:v51+s23+$0x0], $0xffff  }
0xb3: {  	v37 =	vand.u32 $0x3FFF, v37;
	v14 =	vadd.f32 v14, v32;
	v47 =	vsub.f32 v47, v4;
	v32 =	vld.idx.msk [tilespmem:v36+s25+$0x0], $0xffff  }
0xb4: {  	v61 =	vxor.u32 v27, v49;
	v1 =	vmul.f32 v1, v62;
	v5 =	vmul.f32 v5, v28;
	v63 =	vld.idx.msk [tilespmem:v51+s25+$0x0], $0xffff  }
0xb5: {  	v21 =	vsub.f32 v9, v21;
	v25 =	vsub.f32 v25, v48;
	v47 =	vmul.f32 v47, v28;
	v51 =	vld.idx.msk [tilespmem:v46+s23+$0x0], $0xffff  }
0xb6: {  	v9 =	vadd.s32 $0x1, v27;
	v45 =	vadd.f32 v1, v45;
	v5 =	vadd.f32 v5, v53;
	v55 =	vld.idx.msk [tilespmem:v60+s23+$0x0], $0xffff  }
0xb7: {  	v1 =	vxor.u32 v27, v37;
	v25 =	vmul.f32 v25, v28;
	v4 =	vadd.f32 v47, v4;
	v46 =	vld.idx.msk [tilespmem:v46+s25+$0x0], $0xffff  }
0xb8: {  	v53 =	vxor.u32 v27, v22;
	v36 =	vxor.u32 v27, v39;
	v27 =	vld.idx.msk [tilespmem:v60+s25+$0x0], $0xffff;
	v5 =	vsub.f32 v5, v24  }
0xb9: {  	v40 =	vxor.u32 v9, v49;
	v48 =	vadd.f32 v25, v48;
	v6 =	vxor.u32 v9, v37;
	v47 =	vld.idx.msk [tilespmem:v54+s23+$0x0], $0xffff  }
0xba: {  	v49 =	vadd.s32 $0x1, v3;
	v37 =	vld.idx.msk [tilespmem:v58+s23+$0x0], $0xffff;
	v25 =	vsub.f32 v52, v30;
	v5 =	vmul.f32 v5, v26  }
0xbb: {  	v39 =	vxor.u32 v9, v39;
	v60 =	vld.idx.msk [tilespmem:v38+s23+$0x0], $0xffff;
	v52 =	vxor.u32 v9, v22;
	v0 =	vsub.f32 v0, v20  }
0xbc: {  	v38 =	vld.idx.msk [tilespmem:v38+s25+$0x0], $0xffff;
	v22 =	vmul.f32 v25, v28;
	v9 =	vsub.f32 v63, v32;
	v5 =	vadd.f32 v5, v24  }
0xbd: {  	v24 =	vxor.u32 v49, v41;
	v25 =	vmul.f32 v0, v29;
	v0 =	vxor.u32 v3, v41;
	v41 =	vld.idx.msk [tilespmem:v54+s25+$0x0], $0xffff  }
0xbe: {  	v57 =	vand.u32 $0x3FFF, v57;
	v7 =	vxor.u32 v49, v50;
	v9 =	vmul.f32 v9, v29;
	v29 =	vld.idx.msk [tilespmem:v58+s25+$0x0], $0xffff  }
0xbf: {  	v30 =	vadd.f32 v22, v30;
	v54 =	vsub.f32 v10, v19;
	v19 =	vxor.u32 v3, v50;
	v50 =	vld.idx.msk [tilespmem:v44+s23+$0x0], $0xffff  }
0xc0: {  	v22 =	vxor.u32 v49, v57;
	v63 =	vadd.f32 v25, v20;
	v25 =	vxor.u32 v3, v57;
	v57 =	vld.idx.msk [tilespmem:v33+s23+$0x0], $0xffff  }
0xc1: {  	v55 =	vsub.f32 v55, v51;
	v9 =	vadd.f32 v9, v32;
	v32 =	vld.idx.msk [tilespmem:v34+s23+$0x0], $0xffff  }
0xc2: {  	v27 =	vsub.f32 v27, v46;
	v20 =	vxor.u32 v3, v42;
	v3 =	vxor.u32 v49, v42;
	v42 =	vld.idx.msk [tilespmem:v44+s25+$0x0], $0xffff  }
0xc3: {  	v17 =	vcvt.s32.f32 v17;
	v33 =	vld.idx.msk [tilespmem:v33+s25+$0x0], $0xffff  }
0xc4: {  	v10 =	vmul.f32 v55, v28;
	v27 =	vmul.f32 v27, v28;
	v28 =	vsub.f32 v37, v47;
	v44 =	vld.idx.msk [tilespmem:v2+s23+$0x0], $0xffff  }
0xc5: {  	v30 =	vsub.f32 v30, v4;
	v2 =	vld.idx.msk [tilespmem:v2+s25+$0x0], $0xffff  }
0xc6: {  	v28 =	vmul.f32 v28, v23;
	v49 =	vsub.f32 v8, v17;
	v17 =	vld.idx.msk [tilespmem:v40+s25+$0x0], $0xffff  }
0xc7: {  	v10 =	vadd.f32 v10, v51;
	v8 =	vld [tilespmem:$0x1FE70];
	v30 =	vmul.f32 v30, v26;
	v31 =	vsub.f32 v31, v63  }
0xc8: {  	v56 =	vsub.f32 v56, v9;
	v28 =	vadd.f32 v28, v47;
	v47 =	vld.idx.msk [tilespmem:v61+s23+$0x0], $0xffff  }
0xc9: {  	v4 =	vadd.f32 v30, v4;
	v30 =	vld.idx.msk [tilespmem:v34+s25+$0x0], $0xffff;
	v58 =	vsub.f32 v50, v60  }
0xca: {  	v27 =	vadd.f32 v27, v46;
	v55 =	vsub.f32 v59, v10;
	v37 =	vmul.f32 v56, v62;
	v56 =	vld.idx.msk [tilespmem:v35+s23+$0x0], $0xffff  }
0xcb: {  	v31 =	vmul.f32 v31, v62;
	v35 =	vld.idx.msk [tilespmem:v35+s25+$0x0], $0xffff;
	v34 =	vmul.f32 v58, v23  }
0xcc: {  	v62 =	vld.idx.msk [tilespmem:v52+s23+$0x0], $0xffff;
	v58 =	vsub.f32 v48, v27;
	v37 =	vadd.f32 v37, v9;
	v9 =	vmul.f32 v55, v26  }
0xcd: {  	v32 =	vsub.f32 v32, v57;
	v59 =	vsub.f32 v42, v38;
	v42 =	vld.idx.msk [tilespmem:v36+s23+$0x0], $0xffff  }
0xce: {  	v16 =	vcvt.s32.f32 v16;
	v36 =	vld.idx.msk [tilespmem:v36+s25+$0x0], $0xffff;
	v48 =	vadd.f32 v9, v10;
	v9 =	vmul.f32 v58, v26  }
0xcf: {  	v29 =	vsub.f32 v29, v41;
	v34 =	vadd.f32 v34, v60;
	v32 =	vmul.f32 v32, v23;
	v60 =	vld.idx.msk [tilespmem:v39+s23+$0x0], $0xffff  }
0xd0: {  	v26 =	vld.idx.msk [tilespmem:v40+s23+$0x0], $0xffff;
	v30 =	vsub.f32 v30, v33;
	v27 =	vadd.f32 v9, v27;
	v9 =	vmul.f32 v59, v23  }
0xd1: {  	v8 =	vsub.f32 v8, v16;
	v10 =	vadd.f32 v32, v57;
	v32 =	vld.idx.msk [tilespmem:v53+s23+$0x0], $0xffff  }
0xd2: {  	v38 =	vadd.f32 v9, v38;
	v9 =	vmul.f32 v30, v23;
	v30 =	vld.idx.msk [tilespmem:v61+s25+$0x0], $0xffff  }
0xd3: {  	v29 =	vmul.f32 v29, v23;
	v31 =	vadd.f32 v31, v63;
	[tilespmem:$0x1FF90] =	vst v8;
	v8 =	vld [tilespmem:$0x1FE80];
	_ =	sdelay $0x1  }
0xd4: {  	v29 =	vadd.f32 v29, v41;
	v14 =	vsub.f32 v14, v31  }
0xd5: {  	v12 =	vcvt.s32.f32 v12;
	v45 =	vsub.f32 v45, v37;
	v41 =	vsub.f32 v5, v48  }
0xd6: {  	v5 =	vsub.f32 v10, v34;
	v10 =	vsub.f32 v56, v44  }
0xd7: {  	v35 =	vsub.f32 v35, v2;
	v8 =	vsub.f32 v8, v12  }
0xd8: {  	v57 =	vsub.f32 v60, v42;
	v5 =	vmul.f32 v5, v21;
	v63 =	vmul.f32 v10, v23;
	v51 =	vld.idx.msk [tilespmem:v39+s25+$0x0], $0xffff  }
0xd9: {  	v55 =	vld.idx.msk [tilespmem:v53+s25+$0x0], $0xffff;
	v23 =	vmul.f32 v35, v23;
	v33 =	vadd.f32 v9, v33;
	[tilespmem:$0x1FFC0] =	vst v8  }
0xda: {  	v14 =	vmul.f32 v14, v54;
	v16 =	vadd.f32 v5, v34;
	v5 =	vsub.f32 v26, v47;
	v56 =	vld.idx.msk [tilespmem:v52+s25+$0x0], $0xffff  }
0xdb: {  	v41 =	vmul.f32 v41, v18;
	v26 =	vadd.f32 v63, v44;
	v2 =	vadd.f32 v23, v2;
	v58 =	vld.idx.msk [tilespmem:v0+s23+$0x0], $0xffff  }
0xdc: {  	v35 =	vmul.f32 v57, v43;
	v23 =	vsub.f32 v62, v32;
	v12 =	vsub.f32 v33, v38;
	v59 =	vld.idx.msk [tilespmem:v24+s23+$0x0], $0xffff  }
0xdd: {  	v5 =	vmul.f32 v5, v43;
	v28 =	vsub.f32 v28, v26;
	v29 =	vsub.f32 v29, v2;
	v60 =	vld.idx.msk [tilespmem:v25+s23+$0x0], $0xffff  }
0xde: {  	v23 =	vmul.f32 v23, v43;
	v17 =	vsub.f32 v17, v30;
	v12 =	vmul.f32 v12, v21;
	v61 =	vld.idx.msk [tilespmem:v22+s23+$0x0], $0xffff  }
0xdf: {  	v4 =	vsub.f32 v4, v27;
	v28 =	vmul.f32 v28, v21;
	v21 =	vmul.f32 v29, v21;
	v29 =	vld.idx.msk [tilespmem:v7+s23+$0x0], $0xffff  }
0xe0: {  	v35 =	vadd.f32 v35, v42;
	v23 =	vadd.f32 v23, v32;
	v62 =	vmul.f32 v17, v43;
	v17 =	vld.idx.msk [tilespmem:v0+s25+$0x0], $0xffff  }
0xe1: {  	v34 =	vsub.f32 v51, v36;
	v5 =	vadd.f32 v5, v47;
	v0 =	vmul.f32 v4, v18;
	v18 =	vld.idx.msk [tilespmem:v24+s25+$0x0], $0xffff  }
0xe2: {  	v8 =	vadd.f32 v14, v31;
	v63 =	vld.idx.msk [tilespmem:v25+s25+$0x0], $0xffff;
	v23 =	vsub.f32 v23, v35  }
0xe3: {  	v54 =	vmul.f32 v45, v54;
	v45 =	vld.idx.msk [tilespmem:v22+s25+$0x0], $0xffff;
	v12 =	vadd.f32 v12, v38;
	v26 =	vadd.f32 v28, v26  }
0xe4: {  	s19 =	rddreg [dreg:$0x4];
	v28 =	vld.idx.msk [tilespmem:v19+s23+$0x0], $0xffff;
	v4 =	vadd.f32 v21, v2;
	v30 =	vadd.f32 v62, v30;
	v22 =	vmul.f32 v23, v15  }
0xe5: {  	s0 =	sadd.s32 $0xB0, s19;
	v21 =	vmul.f32 v34, v43;
	[tilespmem:$0x1FEC0] =	vst v8;
	v0 =	vadd.f32 v0, v27;
	v2 =	vsub.f32 v56, v55  }
0xe6: {  	s20 =	simm.s32 $0xA0;
	s21 =	sadd.s32 $0xFFFFFFF0, s0;
	v31 =	vld.idx.msk [tilespmem:v7+s25+$0x0], $0xffff;
	v16 =	vsub.f32 v16, v26;
	v7 =	vadd.f32 v22, v35  }
0xe7: {  	s1 =	sand.u32 $0x60, s20;
	s2 =	sand.u32 $0x3F80, s21;
	v24 =	vld [tilespmem:$0x1FE90];
	v12 =	vsub.f32 v12, v4;
	v21 =	vadd.f32 v21, v36;
	v2 =	vmul.f32 v2, v43  }
0xe8: {  	s1 =	sor.u32 s1, s2;
	v14 =	vld.idx.msk [tilespmem:v19+s25+$0x0], $0xffff;
	v25 =	vsub.f32 v59, v58;
	v23 =	vsub.f32 v61, v60;
	[tilespmem:$0x1FF70] =	vst v7  }
0xe9: {  	v7 =	vadd.f32 v41, v48;
	v50 =	vld [tilespmem:s1+$0x2000];
	v2 =	vadd.f32 v2, v55  }
0xea: {  	v47 =	vmul.f32 v16, v49;
	v22 =	vmul.f32 v23, v13;
	v23 =	vsub.f32 v29, v28;
	v29 =	vld [tilespmem:s1+$0x4000]  }
0xeb: {  	v51 =	vmul.f32 v12, v49;
	v52 =	vld.idx.msk [tilespmem:v1+s23+$0x0], $0xffff;
	[tilespmem:$0x1FED0] =	vst v7;
	v2 =	vsub.f32 v2, v21  }
0xec: {  	v18 =	vsub.f32 v18, v17;
	v27 =	vsub.f32 v45, v63;
	v12 =	vmul.f32 v23, v13;
	v53 =	vld.idx.msk [tilespmem:v6+s23+$0x0], $0xffff  }
0xed: {  	v1 =	vld.idx.msk [tilespmem:v1+s25+$0x0], $0xffff;
	[tilespmem:$0x1FEE0] =	vst v0;
	v0 =	vadd.f32 v47, v26;
	v2 =	vmul.f32 v2, v15  }
0xee: {  	v40 =	vadd.f32 v22, v60;
	v26 =	vadd.f32 v12, v28  }
0xef: {  	v19 =	vmul.f32 v25, v13;
	v25 =	vadd.f32 v54, v37;
	[tilespmem:$0x1FEF0] =	vst v0;
	v0 =	vadd.f32 v2, v21  }
0xf0: {  	v18 =	vmul.f32 v18, v13;
	v4 =	vadd.f32 v51, v4;
	v28 =	vld [tilespmem:s1+$0x0];
	v26 =	vsub.f32 v26, v40  }
0xf1: {  	v6 =	vld.idx.msk [tilespmem:v6+s25+$0x0], $0xffff;
	v2 =	vmul.f32 v29, v11;
	[tilespmem:$0x1FF80] =	vst v0;
	v0 =	vmul.f32 v50, v11  }
0xf2: {  	v27 =	vmul.f32 v27, v13;
	v26 =	vmul.f32 v26, v24;
	v33 =	vld.idx.msk [tilespmem:v20+s23+$0x0], $0xffff;
	[tilespmem:$0x1FF10] =	vst v4  }
0xf3: {  	s26 =	simm.s32 $0x80;
	s30 =	simm.s32 $0x90;
	s22 =	sadd.s32 $0xFFFFFFD0, s0;
	v29 =	vsub.f32 v31, v14;
	v54 =	vtrunc.f32 v2;
	v31 =	vld.idx.msk [tilespmem:v3+s23+$0x0], $0xffff;
	v4 =	vtrunc.f32 v0  }
0xf4: {  	s4 =	sand.u32 $0x70, s30;
	s2 =	sand.u32 $0x60, s26;
	v16 =	vadd.f32 v19, v58;
	s1 =	sand.u32 $0x3F80, s22;
	v34 =	vcvt.f32.s32 v54;
	v35 =	vld.idx.msk [tilespmem:v20+s25+$0x0], $0xffff;
	v4 =	vcvt.f32.s32 v4  }
0xf5: {  	s12 =	simm.s32 $0xB0;
	s29 =	sadd.s32 $0xFFFFFFE0, s0;
	v27 =	vadd.f32 v27, v63;
	s2 =	sor.u32 s2, s1;
	v29 =	vmul.f32 v29, v13;
	v32 =	vmul.f32 v28, v11;
	v3 =	vld.idx.msk [tilespmem:v3+s25+$0x0], $0xffff  }
0xf6: {  	s8 =	sand.u32 $0x3F80, s29;
	v6 =	vsub.f32 v6, v1;
	v28 =	vld [tilespmem:s2+$0x2000];
	v56 =	vmul.u32 $0x30025795, v34;
	v55 =	vmul.u32 $0x9E3779B1, v4  }
0xf7: {  	s5 =	sand.u32 $0x70, s12;
	s0 =	sand.u32 $0x3F80, s0;
	s8 =	sor.u32 s4, s8;
	v20 =	vsub.f32 v53, v52;
	v39 =	vld [tilespmem:s2+$0x4000];
	v14 =	vadd.f32 v29, v14;
	v57 =	vtrunc.f32 v32  }
0xf8: {  	s6 =	sor.u32 s5, s0;
	v42 =	vld [tilespmem:s8+$0x2000];
	v6 =	vmul.f32 v6, v43;
	v41 =	vcvt.f32.s32 v57;
	v29 =	vxor.u32 v55, v56  }
0xf9: {  	s7 =	sadd.s32 $0xB0, s10;
	v37 =	vld [tilespmem:s6+$0x2000];
	v20 =	vmul.f32 v20, v43;
	v14 =	vsub.f32 v14, v27;
	v29 =	vand.u32 $0x3FFF, v29  }
0xfa: {  	s15 =	simm.s32 $0x60;
	s14 =	sadd.s32 $0xFFFFFFB0, s7;
	v46 =	vld [tilespmem:s6+$0x4000];
	v59 =	vadd.s32 $0x30025795, v56;
	v43 =	vadd.s32 $0x1, v41;
	v58 =	vxor.u32 v41, v29  }
0xfb: {  	s0 =	sand.u32 $0x1F80, s14;
	s14 =	sand.u32 $0x60, s15;
	v49 =	vld [tilespmem:s2+$0x0];
	v6 =	vadd.f32 v6, v1;
	v44 =	vadd.f32 v20, v52;
	v48 =	vxor.u32 v43, v29  }
0xfc: {  	s0 =	sor.u32 s14, s0;
	v50 =	vld [tilespmem:s8+$0x0];
	v14 =	vmul.f32 v14, v24;
	v31 =	vsub.f32 v31, v33;
	v1 =	vxor.u32 v55, v59  }
0xfd: {  	v51 =	vld [tilespmem:s0+$0x0];
	v3 =	vsub.f32 v3, v35;
	v1 =	vand.u32 $0x3FFF, v1;
	v5 =	vsub.f32 v5, v44  }
0xfe: {  	v20 =	vld [tilespmem:s8+$0x4000];
	v31 =	vmul.f32 v31, v13;
	v29 =	vadd.s32 $0x9E3779B1, v55;
	v60 =	vxor.u32 v41, v1  }
0xff: {  	v61 =	vxor.u32 v43, v1;
	v1 =	vsub.f32 v30, v6;
	v36 =	vxor.u32 v56, v29;
	v52 =	vld.idx.msk [tilespmem:v58+s23+$0x0], $0xffff  }
0x100: {  	v13 =	vmul.f32 v3, v13;
	v29 =	vxor.u32 v29, v59;
	v36 =	vand.u32 $0x3FFF, v36;
	v30 =	vld.idx.msk [tilespmem:v48+s23+$0x0], $0xffff  }
0x101: {  	v63 =	vmul.f32 v5, v15;
	v3 =	vand.u32 $0x3FFF, v29;
	v62 =	vxor.u32 v41, v36;
	v45 =	vld.idx.msk [tilespmem:v58+s25+$0x0], $0xffff  }
0x102: {  	v15 =	vmul.f32 v1, v15;
	v1 =	vadd.f32 v26, v40;
	v54 =	vxor.u32 v43, v36;
	v48 =	vld.idx.msk [tilespmem:v48+s25+$0x0], $0xffff  }
0x103: {  	v5 =	vmul.f32 v37, v11;
	v29 =	vmul.f32 v28, v11;
	v56 =	vxor.u32 v41, v3;
	v57 =	vld.idx.msk [tilespmem:v60+s23+$0x0], $0xffff  }
0x104: {  	v28 =	vmul.f32 v42, v11;
	v43 =	vxor.u32 v43, v3;
	v42 =	vld.idx.msk [tilespmem:v61+s23+$0x0], $0xffff;
	[tilespmem:$0x1FFA0] =	vst v1  }
0x105: {  	[tilespmem:$0x1FF50] =	vst v5;
	v1 =	vadd.f32 v14, v27  }
0x106: {  	v34 =	vcvt.s32.f32 v34;
	v49 =	vmul.f32 v49, v11;
	v40 =	vld.idx.msk [tilespmem:v62+s23+$0x0], $0xffff  }
0x107: {  	v4 =	vcvt.s32.f32 v4;
	v36 =	vmul.f32 v46, v11;
	v46 =	vld.idx.msk [tilespmem:v54+s23+$0x0], $0xffff;
	[tilespmem:$0x1FFB0] =	vst v1;
	v1 =	vadd.f32 v63, v44  }
0x108: {  	v8 =	vmul.f32 v39, v11;
	v51 =	vmul.f32 v51, v11;
	v58 =	vld.idx.msk [tilespmem:v56+s23+$0x0], $0xffff  }
0x109: {  	v53 =	vtrunc.f32 v49;
	v37 =	vadd.f32 v13, v35;
	v35 =	vld.idx.msk [tilespmem:v43+s23+$0x0], $0xffff;
	[tilespmem:$0x1FF60] =	vst v1;
	v1 =	vadd.f32 v15, v6  }
0x10a: {  	v23 =	vadd.f32 v31, v33;
	v31 =	vtrunc.f32 v8;
	v13 =	vtrunc.f32 v5  }
0x10b: {  	v3 =	vmul.f32 v20, v11;
	v38 =	vld.idx.msk [tilespmem:v60+s25+$0x0], $0xffff;
	[tilespmem:$0x1FF00] =	vst v1;
	v1 =	vcvt.f32.s32 v13  }
0x10c: {  	v39 =	vadd.f32 v18, v17;
	v41 =	vcvt.s32.f32 v41;
	v18 =	vtrunc.f32 v29  }
0x10d: {  	v2 =	vsub.f32 v2, v34;
	v33 =	vcvt.f32.s32 v18;
	v18 =	vcvt.f32.s32 v31;
	v6 =	vld.idx.msk [tilespmem:v61+s25+$0x0], $0xffff;
	[tilespmem:$0x1FF40] =	vst v1  }
0x10e: {  	v0 =	vsub.f32 v0, v4;
	v14 =	vtrunc.f32 v28;
	v27 =	vtrunc.f32 v3;
	v13 =	vld.idx.msk [tilespmem:v62+s25+$0x0], $0xffff  }
0x10f: {  	v59 =	vtrunc.f32 v36;
	v55 =	vmul.u32 $0x30025795, v18;
	v18 =	vcvt.s32.f32 v18;
	v44 =	vld.idx.msk [tilespmem:v54+s25+$0x0], $0xffff  }
0x110: {  	v32 =	vsub.f32 v32, v41;
	v31 =	vcvt.f32.s32 v14;
	v30 =	vsub.f32 v30, v52;
	v56 =	vld.idx.msk [tilespmem:v56+s25+$0x0], $0xffff  }
0x111: {  	v14 =	vmul.u32 $0x9E3779B1, v33;
	v12 =	vsub.f32 v8, v18;
	v15 =	vcvt.f32.s32 v27;
	v43 =	vld.idx.msk [tilespmem:v43+s25+$0x0], $0xffff  }
0x112: {  	v60 =	vmul.u32 $0x9E3779B1, v31;
	v30 =	vmul.f32 v30, v32;
	v61 =	vsub.f32 v42, v57  }
0x113: {  	v34 =	vmul.u32 $0x30025795, v15;
	v46 =	vsub.f32 v46, v40;
	v35 =	vsub.f32 v35, v58  }
0x114: {  	v30 =	vadd.f32 v30, v52;
	v62 =	vsub.f32 v48, v45;
	v41 =	vmul.f32 v61, v32  }
0x115: {  	v46 =	vmul.f32 v46, v32;
	v35 =	vmul.f32 v35, v32;
	v6 =	vsub.f32 v6, v38  }
0x116: {  	v42 =	vmul.f32 v62, v32;
	v44 =	vsub.f32 v44, v13;
	v43 =	vsub.f32 v43, v56  }
0x117: {  	v41 =	vadd.f32 v41, v57;
	v40 =	vadd.f32 v46, v40;
	v6 =	vmul.f32 v6, v32  }
0x118: {  	v35 =	vadd.f32 v35, v58;
	v44 =	vmul.f32 v44, v32;
	v32 =	vmul.f32 v43, v32  }
0x119: {  	v54 =	vmul.f32 v50, v11;
	v42 =	vadd.f32 v42, v45;
	v6 =	vadd.f32 v6, v38  }
0x11a: {  	v63 =	vld [tilespmem:s6+$0x0];
	v50 =	vadd.s32 $0x9E3779B1, v60;
	v13 =	vadd.f32 v44, v13;
	v32 =	vadd.f32 v32, v56  }
0x11b: {  	s16 =	simm.s32 $0x70;
	s1 =	sadd.s32 $0xFFFFFFC0, s7;
	v57 =	vadd.s32 $0x30025795, v55;
	v41 =	vsub.f32 v41, v30;
	v35 =	vsub.f32 v35, v40  }
0x11c: {  	s1 =	sand.u32 $0x1F80, s1;
	s2 =	sand.u32 $0x70, s16;
	v46 =	vcvt.f32.s32 v53;
	v6 =	vsub.f32 v6, v42;
	v32 =	vsub.f32 v32, v13  }
0x11d: {  	s1 =	sor.u32 s2, s1;
	v58 =	vxor.u32 v14, v57;
	v41 =	vmul.f32 v41, v2;
	v35 =	vmul.f32 v35, v2  }
0x11e: {  	v61 =	vld [tilespmem:s1+$0x0];
	v53 =	vadd.s32 $0x1, v46;
	v6 =	vmul.f32 v6, v2;
	v2 =	vmul.f32 v32, v2  }
0x11f: {  	v43 =	vmul.f32 v63, v11;
	v30 =	vadd.f32 v41, v30;
	v35 =	vadd.f32 v35, v40  }
0x120: {  	v6 =	vadd.f32 v6, v42;
	v32 =	vand.u32 $0x3FFF, v58;
	v2 =	vadd.f32 v2, v13  }
0x121: {  	v56 =	vadd.s32 $0x9E3779B1, v14;
	v4 =	vsub.f32 v35, v30;
	v41 =	vxor.u32 v46, v32  }
0x122: {  	v62 =	vxor.u32 v55, v56;
	v32 =	vxor.u32 v53, v32;
	v2 =	vsub.f32 v2, v6  }
0x123: {  	v38 =	vmul.f32 v61, v11;
	v4 =	vmul.f32 v4, v0;
	v13 =	vand.u32 $0x3FFF, v62  }
0x124: {  	v63 =	vxor.u32 v56, v57;
	v40 =	vxor.u32 v46, v13;
	v0 =	vmul.f32 v2, v0  }
0x125: {  	v48 =	vand.u32 $0x3FFF, v63;
	v4 =	vadd.f32 v4, v30;
	v13 =	vxor.u32 v53, v13  }
0x126: {  	v44 =	vtrunc.f32 v54;
	v56 =	vxor.u32 v46, v48;
	v52 =	vld.idx.msk [tilespmem:v41+s23+$0x0], $0xffff;
	v0 =	vadd.f32 v0, v6  }
0x127: {  	v47 =	vcvt.f32.s32 v44;
	v35 =	vadd.s32 $0x30025795, v34;
	v42 =	vtrunc.f32 v51;
	v58 =	vld.idx.msk [tilespmem:v32+s23+$0x0], $0xffff;
	[tilespmem:$0x1FF20] =	vst v4  }
0x128: {  	v45 =	vtrunc.f32 v43;
	v57 =	vxor.u32 v50, v35;
	v42 =	vcvt.f32.s32 v42;
	[tilespmem:$0x1FF30] =	vst v0  }
0x129: {  	v62 =	vxor.u32 v34, v50;
	v50 =	vxor.u32 v60, v34;
	v34 =	vcvt.s32.f32 v47;
	v0 =	vld.idx.msk [tilespmem:v40+s23+$0x0], $0xffff  }
0x12a: {  	v55 =	vxor.u32 v14, v55;
	v14 =	vcvt.s32.f32 v46;
	v61 =	vxor.u32 v53, v48;
	v4 =	vld.idx.msk [tilespmem:v13+s23+$0x0], $0xffff  }
0x12b: {  	v26 =	vsub.f32 v54, v34;
	v54 =	vcvt.s32.f32 v42;
	v6 =	vxor.u32 v60, v35;
	v60 =	vld.idx.msk [tilespmem:v56+s23+$0x0], $0xffff  }
0x12c: {  	v15 =	vcvt.s32.f32 v15;
	v44 =	vcvt.f32.s32 v45;
	v48 =	vsub.f32 v49, v14;
	v49 =	vld.idx.msk [tilespmem:v41+s25+$0x0], $0xffff  }
0x12d: {  	v7 =	vadd.s32 $0x1, v47;
	v2 =	vtrunc.f32 v38;
	v54 =	vsub.f32 v51, v54;
	v63 =	vld.idx.msk [tilespmem:v32+s25+$0x0], $0xffff  }
0x12e: {  	v17 =	vcvt.f32.s32 v2;
	v14 =	vsub.f32 v58, v52;
	v58 =	vcvt.s32.f32 v44;
	v40 =	vld.idx.msk [tilespmem:v40+s25+$0x0], $0xffff  }
0x12f: {  	v2 =	vcvt.f32.s32 v59;
	v6 =	vand.u32 $0x3FFF, v6;
	v34 =	vld.idx.msk [tilespmem:v13+s25+$0x0], $0xffff;
	v4 =	vsub.f32 v4, v0  }
0x130: {  	v59 =	vcvt.s32.f32 v17;
	v5 =	vxor.u32 v47, v6;
	v32 =	vsub.f32 v43, v58;
	v58 =	vld.idx.msk [tilespmem:v61+s23+$0x0], $0xffff  }
0x131: {  	v45 =	vld [tilespmem:s0+$0x4000];
	v43 =	vmul.f32 v14, v48;
	v41 =	vmul.f32 v4, v48;
	v4 =	vmul.u32 $0x30025795, v2  }
0x132: {  	v59 =	vsub.f32 v38, v59;
	v38 =	vmul.u32 $0x9E3779B1, v1;
	v56 =	vld.idx.msk [tilespmem:v56+s25+$0x0], $0xffff;
	v14 =	vcvt.s32.f32 v2  }
0x133: {  	v61 =	vld.idx.msk [tilespmem:v61+s25+$0x0], $0xffff;
	v35 =	vadd.f32 v43, v52;
	v10 =	vadd.f32 v41, v0;
	v43 =	vadd.s32 $0x30025795, v4  }
0x134: {  	v0 =	vadd.s32 $0x9E3779B1, v38;
	v41 =	vsub.f32 v63, v49;
	v63 =	vsub.f32 v34, v40;
	v34 =	vld [tilespmem:s0+$0x2000]  }
0x135: {  	v52 =	vxor.u32 v38, v4;
	v51 =	vxor.u32 v38, v43;
	v38 =	vsub.f32 v58, v60  }
0x136: {  	v19 =	vsub.f32 v3, v15;
	v6 =	vxor.u32 v7, v6;
	v8 =	vld [tilespmem:s1+$0x4000];
	v45 =	vmul.f32 v45, v11  }
0x137: {  	v57 =	vand.u32 $0x3FFF, v57;
	v36 =	vsub.f32 v36, v14;
	v38 =	vmul.f32 v38, v48  }
0x138: {  	v18 =	vtrunc.f32 v45;
	v58 =	vsub.f32 v61, v56;
	v1 =	vmul.f32 v41, v48  }
0x139: {  	v38 =	vadd.f32 v38, v60;
	v60 =	vmul.f32 v34, v11;
	v34 =	vand.u32 $0x3FFF, v62  }
0x13a: {  	v63 =	vmul.f32 v63, v48;
	v13 =	vadd.f32 v1, v49;
	v49 =	vld.idx.msk [tilespmem:v5+s23+$0x0], $0xffff;
	v61 =	vxor.u32 v47, v34  }
0x13b: {  	v8 =	vmul.f32 v8, v11;
	v18 =	vcvt.f32.s32 v18;
	v62 =	vld.idx.msk [tilespmem:v6+s23+$0x0], $0xffff;
	v34 =	vxor.u32 v7, v34  }
0x13c: {  	v41 =	vxor.u32 v4, v0;
	v9 =	vadd.f32 v63, v40;
	v63 =	vtrunc.f32 v60  }
0x13d: {  	v4 =	vxor.u32 v47, v57;
	v57 =	vxor.u32 v7, v57;
	v27 =	vcvt.f32.s32 v63  }
0x13e: {  	v22 =	vxor.u32 v0, v43;
	v15 =	vmul.u32 $0x30025795, v18;
	v43 =	vmul.f32 v58, v48  }
0x13f: {  	v18 =	vcvt.s32.f32 v18;
	v58 =	vand.u32 $0x3FFF, v55;
	v40 =	vmul.u32 $0x9E3779B1, v27;
	v2 =	vld.idx.msk [tilespmem:v61+s23+$0x0], $0xffff  }
0x140: {  	v1 =	vadd.s32 $0x30025795, v15;
	v43 =	vadd.f32 v43, v56;
	v62 =	vsub.f32 v62, v49;
	v3 =	vld.idx.msk [tilespmem:v34+s23+$0x0], $0xffff  }
0x141: {  	v14 =	vld [tilespmem:s1+$0x2000];
	v63 =	vsub.f32 v45, v18;
	v0 =	vadd.s32 $0x9E3779B1, v40;
	v20 =	vxor.u32 v40, v1  }
0x142: {  	v18 =	vld.idx.msk [tilespmem:v57+s23+$0x0], $0xffff;
	v62 =	vmul.f32 v62, v26;
	v56 =	vxor.u32 v40, v15;
	v40 =	vtrunc.f32 v8  }
0x143: {  	v21 =	vxor.u32 v0, v1;
	v1 =	vxor.u32 v15, v0;
	v0 =	vld.idx.msk [tilespmem:v4+s23+$0x0], $0xffff;
	v55 =	vcvt.f32.s32 v40  }
0x144: {  	v49 =	vadd.f32 v62, v49  }
0x145: {  	v62 =	vxor.u32 v46, v58;
	v46 =	vcvt.s32.f32 v55;
	v3 =	vsub.f32 v3, v2  }
0x146: {  	v39 =	vsub.f32 v39, v37;
	v38 =	vsub.f32 v38, v10  }
0x147: {  	v45 =	vxor.u32 v53, v58;
	v30 =	vsub.f32 v8, v46;
	v58 =	vmul.f32 v3, v26  }
0x148: {  	v8 =	vmul.f32 v38, v12;
	v18 =	vsub.f32 v18, v0;
	v3 =	vmul.f32 v14, v11  }
0x149: {  	v5 =	vld.idx.msk [tilespmem:v5+s25+$0x0], $0xffff;
	v53 =	vmul.f32 v39, v24;
	v2 =	vadd.f32 v58, v2;
	v58 =	vsub.f32 v43, v9  }
0x14a: {  	v15 =	vld [tilespmem:$0x1FFD0];
	v46 =	vmul.f32 v18, v26;
	v18 =	vadd.f32 v8, v10;
	v8 =	vtrunc.f32 v3  }
0x14b: {  	v6 =	vld.idx.msk [tilespmem:v6+s25+$0x0], $0xffff;
	v39 =	vcvt.f32.s32 v8;
	v8 =	vmul.f32 v58, v12  }
0x14c: {  	v16 =	vsub.f32 v16, v23;
	v38 =	vld.idx.msk [tilespmem:v57+s25+$0x0], $0xffff;
	v10 =	vmul.u32 $0x30025795, v55  }
0x14d: {  	v11 =	vld [tilespmem:$0x1FEA0];
	v0 =	vadd.f32 v46, v0;
	v46 =	vadd.f32 v8, v9;
	v8 =	vmul.u32 $0x9E3779B1, v39  }
0x14e: {  	s17 =	simm.s32 $0x80;
	v16 =	vmul.f32 v16, v24;
	v58 =	vadd.f32 v53, v37;
	v53 =	vld.idx.msk [tilespmem:v62+s25+$0x0], $0xffff  }
0x14f: {  	v14 =	vor.u32 s17, v15;
	v57 =	vadd.s32 $0x30025795, v10;
	v9 =	vld.idx.msk [tilespmem:v62+s23+$0x0], $0xffff;
	v62 =	vadd.s32 $0x9E3779B1, v8  }
0x150: {  	v40 =	vadd.f32 v16, v23;
	v16 =	vxor.u32 v8, v57;
	v37 =	vxor.u32 v62, v57;
	v57 =	vld [tilespmem:$0x1FFE0]  }
0x151: {  	v61 =	vld.idx.msk [tilespmem:v61+s25+$0x0], $0xffff  }
0x152: {  	v34 =	vld.idx.msk [tilespmem:v34+s25+$0x0], $0xffff;
	_ =	sdelay $0x1  }
0x153: {  	v4 =	vld.idx.msk [tilespmem:v4+s25+$0x0], $0xffff;
	[tilespmem:v14+s3+$0x0] =	vst.idx.msk $0xffff, v11  }
0x154: {  	v55 =	vxor.u32 v10, v62;
	v11 =	vld [tilespmem:$0x1FEB0];
	v62 =	vor.u32 s17, v57;
	_ =	sdelay $0x1  }
0x155: {  	v6 =	vsub.f32 v6, v5;
	v34 =	vsub.f32 v34, v61;
	_ =	sdelay $0x1  }
0x156: {  	v6 =	vmul.f32 v6, v26;
	v34 =	vmul.f32 v34, v26  }
0x157: {  	s19 =	simm.s32 $0x40;
	v8 =	vxor.u32 v8, v10;
	v10 =	vand.u32 $0x3FFF, v50;
	v50 =	vsub.f32 v38, v4;
	[tilespmem:v62+s3+$0x0] =	vst.idx.msk $0xffff, v11  }
0x158: {  	v38 =	vxor.u32 v47, v10;
	v47 =	vor.u32 s19, v15;
	v7 =	vxor.u32 v7, v10;
	v10 =	vld [tilespmem:$0x1FEC0]  }
0x159: {  	v5 =	vadd.f32 v6, v5;
	v6 =	vadd.f32 v34, v61;
	v61 =	vor.u32 s19, v57;
	_ =	sdelay $0x3  }
0x15a: {  	v33 =	vcvt.s32.f32 v33;
	v43 =	vld.idx.msk [tilespmem:v45+s23+$0x0], $0xffff;
	[tilespmem:v47+s3+$0x0] =	vst.idx.msk $0xffff, v10  }
0x15b: {  	s20 =	simm.s32 $0x60;
	v45 =	vld.idx.msk [tilespmem:v45+s25+$0x0], $0xffff;
	[tilespmem:v61+s3+$0x0] =	vst.idx.msk $0xffff, v25  }
0x15c: {  	v29 =	vsub.f32 v29, v33;
	v31 =	vcvt.s32.f32 v31;
	v33 =	vor.u32 s20, v15;
	v11 =	vld [tilespmem:$0x1FED0];
	_ =	sdelay $0x1  }
0x15d: {  	v28 =	vsub.f32 v28, v31;
	v22 =	vand.u32 $0x3FFF, v22;
	v0 =	vsub.f32 v0, v2  }
0x15e: {  	v24 =	vand.u32 $0x3FFF, v52;
	v20 =	vand.u32 $0x3FFF, v20;
	v43 =	vsub.f32 v43, v9  }
0x15f: {  	v0 =	vmul.f32 v0, v19;
	v45 =	vsub.f32 v45, v53;
	v34 =	vmul.f32 v50, v26;
	v31 =	vld.idx.msk [tilespmem:v38+s25+$0x0], $0xffff  }
0x160: {  	v21 =	vand.u32 $0x3FFF, v21;
	v43 =	vmul.f32 v43, v48;
	v62 =	vld.idx.msk [tilespmem:v7+s23+$0x0], $0xffff;
	v10 =	vand.u32 $0x3FFF, v51;
	[tilespmem:v33+s3+$0x0] =	vst.idx.msk $0xffff, v11  }
0x161: {  	v25 =	vand.u32 $0x3FFF, v41;
	v41 =	vxor.u32 v44, v10;
	v61 =	vor.u32 s20, v57;
	v11 =	vld [tilespmem:$0x1FEE0]  }
0x162: {  	v2 =	vadd.f32 v0, v2;
	v4 =	vadd.f32 v34, v4;
	v34 =	vadd.s32 $0x1, v44;
	v7 =	vld.idx.msk [tilespmem:v7+s25+$0x0], $0xffff  }
0x163: {  	v0 =	vadd.f32 v43, v9;
	v9 =	vmul.f32 v45, v48;
	v10 =	vxor.u32 v34, v10  }
0x164: {  	v23 =	vand.u32 $0x3FFF, v56;
	v1 =	vand.u32 $0x3FFF, v1;
	v56 =	vxor.u32 v42, v21;
	v47 =	vld.idx.msk [tilespmem:v38+s23+$0x0], $0xffff  }
0x165: {  	v45 =	vxor.u32 v42, v20;
	v4 =	vsub.f32 v4, v6;
	v9 =	vadd.f32 v9, v53  }
0x166: {  	s21 =	simm.s32 $0xA0;
	v53 =	vxor.u32 v42, v1;
	v48 =	vxor.u32 v44, v25;
	v38 =	vld.idx.msk [tilespmem:v41+s23+$0x0], $0xffff;
	[tilespmem:v61+s3+$0x0] =	vst.idx.msk $0xffff, v11  }
0x167: {  	v7 =	vsub.f32 v7, v31;
	v25 =	vxor.u32 v34, v25;
	v33 =	vor.u32 s21, v15;
	v11 =	vld [tilespmem:$0x1FEF0]  }
0x168: {  	v51 =	vxor.u32 v44, v24;
	v24 =	vxor.u32 v34, v24;
	v44 =	vxor.u32 v44, v22;
	v52 =	vld.idx.msk [tilespmem:v10+s23+$0x0], $0xffff  }
0x169: {  	v22 =	vxor.u32 v34, v22;
	v34 =	vadd.s32 $0x1, v42;
	v50 =	vsub.f32 v62, v47  }
0x16a: {  	v4 =	vmul.f32 v4, v19;
	v7 =	vmul.f32 v7, v26;
	v14 =	vxor.u32 v34, v1;
	v10 =	vld.idx.msk [tilespmem:v10+s25+$0x0], $0xffff  }
0x16b: {  	v1 =	vxor.u32 v42, v23;
	v42 =	vld.idx.msk [tilespmem:v48+s23+$0x0], $0xffff;
	v61 =	vxor.u32 v34, v21;
	v21 =	vmul.f32 v50, v26  }
0x16c: {  	v62 =	vxor.u32 v34, v23;
	v23 =	vld.idx.msk [tilespmem:v25+s23+$0x0], $0xffff;
	v50 =	vsub.f32 v35, v0;
	[tilespmem:v33+s3+$0x0] =	vst.idx.msk $0xffff, v11  }
0x16d: {  	v43 =	vmovc v15;
	v15 =	vsub.f32 v52, v38;
	v21 =	vadd.f32 v21, v47;
	v47 =	vor.u32 s21, v57;
	v11 =	vld [tilespmem:$0x1FF10]  }
0x16e: {  	v20 =	vxor.u32 v34, v20;
	v7 =	vadd.f32 v7, v31;
	v31 =	vld.idx.msk [tilespmem:v44+s23+$0x0], $0xffff;
	v33 =	vmul.f32 v50, v12  }
0x16f: {  	s22 =	simm.s32 $0x140;
	v26 =	vld.idx.msk [tilespmem:v41+s25+$0x0], $0xffff;
	v35 =	vsub.f32 v13, v9;
	v13 =	vadd.f32 v4, v6;
	v4 =	vmul.f32 v15, v32  }
0x170: {  	v5 =	vsub.f32 v5, v7;
	v52 =	vor.u32 s22, v43;
	v15 =	vld.idx.msk [tilespmem:v48+s25+$0x0], $0xffff;
	v6 =	vadd.f32 v33, v0  }
0x171: {  	v0 =	vmul.f32 v35, v12;
	v12 =	vsub.f32 v23, v42;
	v33 =	vadd.f32 v4, v38;
	v38 =	vld.idx.msk [tilespmem:v22+s23+$0x0], $0xffff  }
0x172: {  	v41 =	vld [tilespmem:$0x1FF00];
	v4 =	vand.u32 $0x3FFF, v16;
	v23 =	vand.u32 $0x3FFF, v55;
	[tilespmem:v47+s3+$0x0] =	vst.idx.msk $0xffff, v11;
	v47 =	vsub.f32 v49, v21  }
0x173: {  	v55 =	vand.u32 $0x3FFF, v37;
	v37 =	vand.u32 $0x3FFF, v8;
	v12 =	vmul.f32 v12, v32;
	v11 =	vld [tilespmem:$0x1FF20]  }
0x174: {  	v8 =	vadd.f32 v0, v9;
	v0 =	vadd.s32 $0x1, v17;
	v49 =	vld.idx.msk [tilespmem:v25+s25+$0x0], $0xffff;
	v25 =	vmul.f32 v47, v19  }
0x175: {  	v10 =	vsub.f32 v10, v26;
	v9 =	vld.idx.msk [tilespmem:v44+s25+$0x0], $0xffff;
	v44 =	vxor.u32 v0, v4;
	v12 =	vadd.f32 v12, v42  }
0x176: {  	v34 =	vld.idx.msk [tilespmem:v24+s23+$0x0], $0xffff;
	v42 =	vxor.u32 v17, v4;
	v4 =	vadd.f32 v25, v21;
	v21 =	vsub.f32 v38, v31  }
0x177: {  	v5 =	vmul.f32 v5, v19;
	v48 =	vor.u32 s22, v57;
	v10 =	vmul.f32 v10, v32;
	v19 =	vld.idx.msk [tilespmem:v51+s23+$0x0], $0xffff  }
0x178: {  	v16 =	vxor.u32 v0, v37;
	[tilespmem:v52+s3+$0x0] =	vst.idx.msk $0xffff, v11;
	v21 =	vmul.f32 v21, v32;
	v11 =	vld.idx.msk [tilespmem:v51+s25+$0x0], $0xffff  }
0x179: {  	v25 =	vxor.u32 v17, v37;
	v37 =	vadd.f32 v5, v7;
	v5 =	vadd.f32 v10, v26;
	v10 =	vld [tilespmem:$0x1FF30]  }
0x17a: {  	v35 =	vxor.u32 v0, v55;
	v38 =	vxor.u32 v0, v23;
	v0 =	vadd.f32 v21, v31;
	v21 =	vld.idx.msk [tilespmem:v24+s25+$0x0], $0xffff;
	_ =	sdelay $0x1  }
0x17b: {  	v22 =	vld.idx.msk [tilespmem:v22+s25+$0x0], $0xffff  }
0x17c: {  	v49 =	vsub.f32 v49, v15  }
0x17d: {  	v24 =	vcvt.s32.f32 v27;
	[tilespmem:v48+s3+$0x0] =	vst.idx.msk $0xffff, v10;
	v48 =	vmov v30;
	v30 =	vsub.f32 v34, v19  }
0x17e: {  	v7 =	vmul.f32 v49, v32;
	v21 =	vsub.f32 v21, v11  }
0x17f: {  	v51 =	vsub.f32 v60, v24;
	v10 =	vld [tilespmem:$0x1FF40];
	v24 =	vmul.f32 v30, v32  }
0x180: {  	v22 =	vsub.f32 v22, v9;
	v7 =	vadd.f32 v7, v15;
	v15 =	vld [tilespmem:$0x1FF50];
	v21 =	vmul.f32 v21, v32  }
0x181: {  	v19 =	vadd.f32 v24, v19;
	v24 =	vsub.f32 v46, v8;
	v46 =	vld [tilespmem:$0x1FF60]  }
0x182: {  	v22 =	vmul.f32 v22, v32;
	v11 =	vadd.f32 v21, v11;
	v21 =	vsub.f32 v13, v37;
	v13 =	vld [tilespmem:$0x1FF70];
	_ =	sdelay $0x1  }
0x183: {  	v9 =	vadd.f32 v22, v9;
	v22 =	vld.idx.msk [tilespmem:v53+s23+$0x0], $0xffff;
	v10 =	vcvt.s32.f32 v10  }
0x184: {  	v26 =	vcvt.s32.f32 v39;
	v27 =	vld.idx.msk [tilespmem:v45+s23+$0x0], $0xffff;
	v0 =	vsub.f32 v0, v12  }
0x185: {  	v31 =	vsub.f32 v15, v10;
	v10 =	vld.idx.msk [tilespmem:v20+s23+$0x0], $0xffff  }
0x186: {  	v49 =	vsub.f32 v3, v26;
	v0 =	vmul.f32 v0, v36;
	v26 =	vsub.f32 v13, v46;
	v13 =	vld [tilespmem:$0x1FF80]  }
0x187: {  	v3 =	vld.idx.msk [tilespmem:v61+s23+$0x0], $0xffff  }
0x188: {  	v2 =	vsub.f32 v2, v4;
	v0 =	vadd.f32 v0, v12;
	v12 =	vld.idx.msk [tilespmem:v14+s23+$0x0], $0xffff  }
0x189: {  	v30 =	vld.idx.msk [tilespmem:v56+s23+$0x0], $0xffff  }
0x18a: {  	v39 =	vmul.f32 v2, v28;
	v9 =	vsub.f32 v9, v7;
	v2 =	vsub.f32 v10, v27;
	v10 =	vld.idx.msk [tilespmem:v20+s25+$0x0], $0xffff  }
0x18b: {  	v20 =	vsub.f32 v13, v41;
	v13 =	vld [tilespmem:$0x1FF90]  }
0x18c: {  	v50 =	vxor.u32 v17, v55;
	v18 =	vsub.f32 v18, v6;
	v55 =	vld.idx.msk [tilespmem:v53+s25+$0x0], $0xffff;
	v9 =	vmul.f32 v9, v36  }
0x18d: {  	v32 =	vmul.f32 v24, v29;
	v24 =	vld.idx.msk [tilespmem:v45+s25+$0x0], $0xffff  }
0x18e: {  	v18 =	vmul.f32 v18, v29;
	v47 =	vxor.u32 v17, v23;
	v60 =	vld.idx.msk [tilespmem:v42+s23+$0x0], $0xffff;
	v7 =	vadd.f32 v9, v7  }
0x18f: {  	v29 =	vld.idx.msk [tilespmem:v14+s25+$0x0], $0xffff;
	v12 =	vsub.f32 v12, v22;
	v3 =	vsub.f32 v3, v30;
	v15 =	vmul.f32 v21, v28  }
0x190: {  	v14 =	vld [tilespmem:$0x1FFA0];
	v2 =	vmul.f32 v2, v54;
	v28 =	vmul.f32 v20, v13;
	v20 =	vsub.f32 v33, v19  }
0x191: {  	v9 =	vld.idx.msk [tilespmem:v61+s25+$0x0], $0xffff;
	v5 =	vsub.f32 v5, v11;
	v12 =	vmul.f32 v12, v54;
	v3 =	vmul.f32 v3, v54  }
0x192: {  	v21 =	vadd.f32 v2, v27;
	v2 =	vld.idx.msk [tilespmem:v56+s25+$0x0], $0xffff;
	v10 =	vsub.f32 v10, v24;
	v20 =	vmul.f32 v20, v36  }
0x193: {  	v61 =	vld.idx.msk [tilespmem:v35+s23+$0x0], $0xffff;
	v5 =	vmul.f32 v5, v36;
	v12 =	vadd.f32 v12, v22;
	v27 =	vadd.f32 v3, v30  }
0x194: {  	v17 =	vmul.f32 v26, v13;
	v3 =	vmul.f32 v10, v54;
	v10 =	vld [tilespmem:$0x1FFB0];
	v13 =	vadd.f32 v20, v19  }
0x195: {  	s29 =	simm.s32 $0x20;
	v19 =	vsub.f32 v29, v55;
	v20 =	vsub.f32 v14, v40;
	v14 =	vld [tilespmem:$0x1FFC0]  }
0x196: {  	v52 =	vor.u32 s29, v43;
	v30 =	vld.idx.msk [tilespmem:v44+s23+$0x0], $0xffff;
	v27 =	vsub.f32 v27, v12;
	v29 =	vadd.f32 v5, v11  }
0x197: {  	s26 =	simm.s32 $0x0;
	v33 =	vadd.f32 v15, v37;
	v36 =	vld.idx.msk [tilespmem:v47+s23+$0x0], $0xffff;
	v11 =	vmul.f32 v19, v54;
	v19 =	vsub.f32 v9, v2  }
0x198: {  	v53 =	vor.u32 s26, v43;
	v22 =	vadd.f32 v3, v24;
	v24 =	vld.idx.msk [tilespmem:v38+s23+$0x0], $0xffff;
	v7 =	vsub.f32 v7, v29  }
0x199: {  	v35 =	vld.idx.msk [tilespmem:v35+s25+$0x0], $0xffff;
	v0 =	vsub.f32 v0, v13;
	v11 =	vadd.f32 v11, v55;
	v55 =	vmul.f32 v19, v54  }
0x19a: {  	v10 =	vsub.f32 v10, v58;
	v9 =	vld.idx.msk [tilespmem:v50+s23+$0x0], $0xffff;
	v19 =	vmul.f32 v7, v31;
	v5 =	vmul.f32 v20, v14  }
0x19b: {  	v37 =	vld.idx.msk [tilespmem:v62+s23+$0x0], $0xffff;
	v20 =	vadd.f32 v18, v6;
	v6 =	vmul.f32 v0, v31;
	v0 =	vsub.f32 v30, v60  }
0x19c: {  	v45 =	vor.u32 s29, v57;
	v3 =	vmul.f32 v10, v14;
	v10 =	vld.idx.msk [tilespmem:v42+s25+$0x0], $0xffff;
	v18 =	vmul.f32 v27, v63  }
0x19d: {  	v42 =	vld.idx.msk [tilespmem:v44+s25+$0x0], $0xffff;
	v31 =	vsub.f32 v24, v36;
	v27 =	vadd.f32 v32, v8;
	v0 =	vmul.f32 v0, v59  }
0x19e: {  	v7 =	vld.idx.msk [tilespmem:v47+s25+$0x0], $0xffff;
	v47 =	vor.u32 s26, v57;
	v56 =	vadd.f32 v55, v2;
	v24 =	vadd.f32 v18, v12  }
0x19f: {  	s31 =	simm.s32 $0x2040;
	s30 =	simm.s32 $0xC0;
	s14 =	sshll.u32 s11, $0xC;
	v30 =	vld.idx.msk [tilespmem:v38+s25+$0x0], $0xffff;
	v8 =	vmul.f32 v31, v59;
	v0 =	vadd.f32 v0, v60;
	v60 =	vsub.f32 v61, v9  }
0x1a0: {  	s15 =	simm.s32 $0x4040;
	s13 =	sand.u32 $0x1000, s14;
	s2 =	simm.s32 $0x100;
	v2 =	vld.idx.msk [tilespmem:v50+s25+$0x0], $0xffff;
	v31 =	vadd.f32 v39, v4;
	v4 =	vor.u32 s30, v43;
	v61 =	vsub.f32 v56, v11  }
0x1a1: {  	s8 =	simm.s32 $0x6;
	s1 =	simm.s32 $0xE0;
	s0 =	simm.s32 $0x120;
	v18 =	vor.u32 s30, v57;
	v12 =	vadd.f32 v8, v36;
	v8 =	vld.idx.msk [tilespmem:v1+s23+$0x0], $0xffff;
	v38 =	vmul.f32 v60, v59  }
0x1a2: {  	s19 =	simm.s32 $0x1F80;
	s20 =	simm.s32 $0x40;
	s26 =	simm.s32 $0x160;
	v32 =	vadd.f32 v6, v13;
	v1 =	vld.idx.msk [tilespmem:v1+s25+$0x0], $0xffff;
	v39 =	vsub.f32 v42, v10;
	v36 =	vmul.f32 v61, v63  }
.LBB2_3:
0x1a3: {  	v6 =	vld.idx.msk [tilespmem:v62+s25+$0x0], $0xffff;
	v9 =	vadd.f32 v38, v9  }
0x1a4: {  	v19 =	vadd.f32 v19, v29;
	v29 =	vld.idx.msk [tilespmem:v16+s23+$0x0], $0xffff;
	v5 =	vadd.f32 v5, v40  }
0x1a5: {  	v36 =	vadd.f32 v36, v11;
	v11 =	vld.idx.msk [tilespmem:v25+s23+$0x0], $0xffff;
	v9 =	vsub.f32 v9, v12  }
0x1a6: {  	v60 =	vor.u32 s1, v43;
	v23 =	vld.idx.msk [tilespmem:v16+s25+$0x0], $0xffff;
	v30 =	vsub.f32 v30, v7;
	v61 =	vsub.f32 v35, v2  }
0x1a7: {  	s21 =	rddreg [dreg:$0x4];
	s12 =	sadd.s32 $0x60, s12;
	v62 =	vor.u32 s1, v57;
	v15 =	vmovc v4;
	v25 =	vld.idx.msk [tilespmem:v25+s25+$0x0], $0xffff;
	v26 =	vadd.f32 v17, v46;
	v37 =	vsub.f32 v37, v8  }
0x1a8: {  	v4 =	vor.u32 s2, v57;
	s21 =	sadd.s32 s12, s21;
	v28 =	vadd.f32 v28, v41;
	[tilespmem:v52+s3+$0x0] =	vst.idx.msk $0xffff, v5;
	v9 =	vmul.f32 v9, v48  }
0x1a9: {  	s6 =	sadd.s32 $0xFFFFFFF0, s12;
	s16 =	sadd.s32 $0xFFFFFFF0, s21;
	v6 =	vsub.f32 v6, v1;
	v30 =	vmul.f32 v30, v59;
	v17 =	vmul.f32 v37, v54  }
0x1aa: {  	v13 =	vmov v18;
	s6 =	sand.u32 $0x60, s6;
	s16 =	sand.u32 $0x3F80, s16;
	[tilespmem:v53+s3+$0x0] =	vst.idx.msk $0xffff, v26;
	v14 =	vsub.f32 v29, v11;
	v9 =	vadd.f32 v9, v12  }
0x1ab: {  	[tilespmem:$0x1FE30] =	vst v13;
	s6 =	sor.u32 s6, s16;
	v6 =	vmul.f32 v6, v54;
	v7 =	vadd.f32 v30, v7;
	v30 =	vmul.f32 v61, v59  }
0x1ac: {  	v16 =	vor.u32 s0, v43;
	s29 =	sadd.s32 $0xFFFFFFD0, s12;
	s7 =	sadd.s32 $0xFFFFFFE0, s12;
	v12 =	vld [tilespmem:s6+$0x4000];
	[tilespmem:v47+s3+$0x0] =	vst.idx.msk $0xffff, v28;
	v13 =	vmul.f32 v14, v59;
	v14 =	vsub.f32 v23, v25  }
0x1ad: {  	s17 =	sadd.s32 $0xFFFFFFD0, s21;
	s4 =	sadd.s32 $0xFFFFFFE0, s21;
	s29 =	sand.u32 $0x60, s29;
	v8 =	vadd.f32 v17, v8;
	v17 =	vld [tilespmem:$0x1FFF0];
	[tilespmem:$0x1FD30] =	vst v9;
	v9 =	vor.u32 s2, v43;
	v2 =	vadd.f32 v30, v2  }
0x1ae: {  	[tilespmem:$0x1FDD0] =	vst v15;
	s7 =	sand.u32 $0x70, s7;
	s1 =	sand.u32 $0x3F80, s17;
	s4 =	sand.u32 $0x3F80, s4;
	v6 =	vadd.f32 v6, v1;
	v15 =	vadd.f32 v13, v11;
	v11 =	vmul.f32 v14, v59  }
0x1af: {  	s2 =	sor.u32 s29, s1;
	s29 =	sor.u32 s7, s4;
	v1 =	vmovc v60;
	v30 =	vld [tilespmem:s6+$0x2000];
	v18 =	vsub.f32 v21, v8;
	v21 =	vor.u32 s0, v57;
	v2 =	vsub.f32 v2, v7  }
0x1b0: {  	s30 =	sadd.s32 s12, s10;
	[tilespmem:$0x1FDE0] =	vst v1;
	v0 =	vsub.f32 v0, v15;
	v25 =	vadd.f32 v11, v25;
	v11 =	vld [tilespmem:s29+$0x2000]  }
0x1b1: {  	s22 =	sadd.s32 $0xFFFFFFC0, s12;
	s5 =	sadd.s32 $0xFFFFFFB0, s30;
	s16 =	sadd.s32 $0xFFFFFFB0, s12;
	v5 =	vld [tilespmem:s6+$0x0];
	[tilespmem:$0x1FCF0] =	vst v15;
	v2 =	vmul.f32 v2, v48  }
0x1b2: {  	v3 =	vadd.f32 v3, v58;
	v34 =	vmul.f32 v39, v59;
	s30 =	sadd.s32 $0xFFFFFFC0, s30;
	s5 =	sand.u32 $0x1F80, s5;
	s16 =	sand.u32 $0x60, s16;
	v13 =	vld [tilespmem:s2+$0x2000];
	v1 =	vmul.f32 v12, v17;
	[tilespmem:$0x1FCA0] =	vst v0  }
0x1b3: {  	s22 =	sand.u32 $0x70, s22;
	s30 =	sand.u32 $0x1F80, s30;
	s7 =	sor.u32 s16, s5;
	v2 =	vadd.f32 v2, v7;
	v7 =	vmul.f32 v18, v63;
	v18 =	vld [tilespmem:s29+$0x4000];
	[tilespmem:v16+s3+$0x0] =	vst.idx.msk $0xffff, v31  }
0x1b4: {  	s16 =	sor.u32 s22, s30;
	v14 =	vor.u32 s26, v43;
	v43 =	vld [tilespmem:s7+$0x0];
	v23 =	vmul.f32 v30, v17;
	[tilespmem:v21+s3+$0x0] =	vst.idx.msk $0xffff, v33  }
0x1b5: {  	v10 =	vadd.f32 v34, v10;
	v12 =	vtrunc.f32 v1;
	v26 =	vmul.f32 v11, v17;
	v11 =	vld [tilespmem:s16+$0x2000];
	[tilespmem:v45+s3+$0x0] =	vst.idx.msk $0xffff, v3  }
0x1b6: {  	s17 =	sand.u32 $0x3F80, s21;
	s1 =	sand.u32 $0x70, s12;
	v22 =	vsub.f32 v22, v6;
	v12 =	vcvt.f32.s32 v12;
	v0 =	vtrunc.f32 v23;
	[tilespmem:$0x1FD50] =	vst v2;
	v2 =	vld [tilespmem:s2+$0x4000]  }
0x1b7: {  	s17 =	sor.u32 s1, s17;
	[tilespmem:v9+s3+$0x0] =	vst.idx.msk $0xffff, v20;
	v15 =	vcvt.f32.s32 v0;
	v9 =	vmul.f32 v5, v17  }
0x1b8: {  	[tilespmem:$0x1FD00] =	vst v25;
	v0 =	vsub.f32 v10, v25;
	v5 =	vmul.f32 v22, v63;
	v22 =	vmul.f32 v13, v17;
	v10 =	vld [tilespmem:s17+$0x4000]  }
0x1b9: {  	v54 =	vmul.f32 v43, v17;
	v20 =	vadd.f32 v7, v8;
	v8 =	vmul.u32 $0x30025795, v12;
	v13 =	vld [tilespmem:s7+$0x2000];
	[tilespmem:v4+s3+$0x0] =	vst.idx.msk $0xffff, v27  }
0x1ba: {  	v12 =	vcvt.s32.f32 v12;
	v4 =	vld [tilespmem:s17+$0x2000];
	[tilespmem:v14+s3+$0x0] =	vst.idx.msk $0xffff, v32;
	v7 =	vmul.u32 $0x9E3779B1, v15;
	v14 =	vtrunc.f32 v22  }
0x1bb: {  	v41 =	vld [tilespmem:s29+$0x0];
	[tilespmem:$0x1FCD0] =	vst v0;
	v0 =	vadd.f32 v5, v6;
	v27 =	vmul.f32 v2, v17;
	v2 =	vtrunc.f32 v9  }
0x1bc: {  	[tilespmem:$0x1FD60] =	vst v22;
	v5 =	vld [tilespmem:s7+$0x4000];
	v22 =	vmul.f32 v18, v17;
	v6 =	vxor.u32 v7, v8;
	v2 =	vcvt.f32.s32 v2  }
0x1bd: {  	v3 =	vmovc v62;
	v39 =	vcvt.f32.s32 v14;
	[tilespmem:$0x1FF00] =	vst v0;
	v0 =	vsub.f32 v36, v0;
	v6 =	vand.u32 $0x3FFF, v6  }
0x1be: {  	[tilespmem:$0x1FE20] =	vst v3;
	v3 =	vld [tilespmem:s16+$0x4000];
	v28 =	vmul.f32 v10, v17;
	v16 =	vmul.f32 v13, v17;
	v25 =	vxor.u32 v2, v6  }
0x1bf: {  	v21 =	vmul.f32 v4, v17;
	v4 =	vadd.s32 $0x30025795, v8;
	v18 =	vadd.s32 $0x1, v2  }
0x1c0: {  	v34 =	vld [tilespmem:s2+$0x0];
	v55 =	vmul.f32 v41, v17;
	v13 =	vxor.u32 v7, v4;
	v6 =	vxor.u32 v18, v6  }
0x1c1: {  	v42 =	vld [tilespmem:s17+$0x0];
	[tilespmem:$0x1FDF0] =	vst v0;
	v29 =	vmul.f32 v5, v17;
	v5 =	vadd.s32 $0x9E3779B1, v7;
	v7 =	vand.u32 $0x3FFF, v13  }
0x1c2: {  	v0 =	vld [tilespmem:$0x1FFE0];
	[tilespmem:$0x1FC80] =	vst v27;
	v10 =	vtrunc.f32 v27;
	v13 =	vmul.f32 v11, v17;
	v11 =	vxor.u32 v2, v7  }
0x1c3: {  	v27 =	vmul.f32 v3, v17;
	v8 =	vxor.u32 v8, v5;
	v7 =	vxor.u32 v18, v7;
	v44 =	vld.idx.msk [tilespmem:v25+s23+$0x0], $0xffff  }
0x1c4: {  	[tilespmem:$0x1FD70] =	vst v51;
	v38 =	vmovc v48;
	v37 =	vtrunc.f32 v28;
	v48 =	vtrunc.f32 v16;
	v3 =	vand.u32 $0x3FFF, v8;
	v51 =	vld.idx.msk [tilespmem:v25+s25+$0x0], $0xffff  }
0x1c5: {  	v46 =	vxor.u32 v2, v3;
	v47 =	vxor.u32 v18, v3;
	v3 =	vsub.f32 v24, v20;
	v45 =	vld.idx.msk [tilespmem:v6+s23+$0x0], $0xffff  }
0x1c6: {  	v59 =	vmul.f32 v34, v17;
	v4 =	vxor.u32 v5, v4;
	v8 =	vtrunc.f32 v26;
	v6 =	vld.idx.msk [tilespmem:v6+s25+$0x0], $0xffff  }
0x1c7: {  	v58 =	vmul.f32 v42, v17;
	v4 =	vand.u32 $0x3FFF, v4;
	[tilespmem:$0x1FD80] =	vst v3;
	v3 =	vcvt.f32.s32 v8;
	v53 =	vld.idx.msk [tilespmem:v11+s23+$0x0], $0xffff  }
0x1c8: {  	v5 =	vtrunc.f32 v22;
	v30 =	vcvt.f32.s32 v10;
	v52 =	vxor.u32 v2, v4;
	v57 =	vld.idx.msk [tilespmem:v7+s23+$0x0], $0xffff  }
0x1c9: {  	v36 =	vcvt.f32.s32 v5;
	v56 =	vxor.u32 v18, v4;
	[tilespmem:$0x1FD10] =	vst v3;
	v5 =	vmul.u32 $0x9E3779B1, v3;
	v3 =	vld.idx.msk [tilespmem:v11+s25+$0x0], $0xffff  }
0x1ca: {  	v50 =	vcvt.f32.s32 v37;
	v37 =	vcvt.f32.s32 v48;
	v7 =	vld.idx.msk [tilespmem:v7+s25+$0x0], $0xffff  }
0x1cb: {  	v1 =	vsub.f32 v1, v12;
	v33 =	vtrunc.f32 v29;
	v35 =	vtrunc.f32 v27;
	v60 =	vld.idx.msk [tilespmem:v46+s23+$0x0], $0xffff  }
0x1cc: {  	[tilespmem:$0x1FE00] =	vst v49;
	v14 =	vmul.u32 $0x9E3779B1, v39;
	v18 =	vtrunc.f32 v13;
	v48 =	vcvt.f32.s32 v33;
	v61 =	vld.idx.msk [tilespmem:v47+s23+$0x0], $0xffff  }
0x1cd: {  	[tilespmem:$0x1FDC0] =	vst v13;
	v13 =	vmul.u32 $0x30025795, v30;
	v49 =	vcvt.f32.s32 v35;
	v8 =	vor.u32 s26, v0;
	v62 =	vld.idx.msk [tilespmem:v52+s23+$0x0], $0xffff  }
0x1ce: {  	v10 =	vmul.u32 $0x9E3779B1, v37;
	v2 =	vcvt.s32.f32 v2;
	v25 =	vtrunc.f32 v21;
	v63 =	vld.idx.msk [tilespmem:v56+s23+$0x0], $0xffff  }
0x1cf: {  	v43 =	vmul.u32 $0x30025795, v50;
	v0 =	vcvt.f32.s32 v18;
	v4 =	vcvt.f32.s32 v25;
	v41 =	vld.idx.msk [tilespmem:v46+s25+$0x0], $0xffff  }
0x1d0: {  	v34 =	vmul.u32 $0x30025795, v49;
	v2 =	vsub.f32 v9, v2;
	v11 =	vmul.u32 $0x30025795, v36;
	v42 =	vld.idx.msk [tilespmem:v47+s25+$0x0], $0xffff  }
0x1d1: {  	v25 =	vmul.u32 $0x30025795, v48;
	v46 =	vtrunc.f32 v59;
	v12 =	vld.idx.msk [tilespmem:v56+s25+$0x0], $0xffff;
	v56 =	vtrunc.f32 v58;
	[tilespmem:$0x1FD20] =	vst v4  }
0x1d2: {  	v18 =	vmul.u32 $0x9E3779B1, v4;
	v4 =	vld [tilespmem:$0x1FFD0];
	[tilespmem:v8+s3+$0x0] =	vst.idx.msk $0xffff, v19;
	v8 =	vmul.u32 $0x9E3779B1, v0;
	v9 =	vsub.f32 v45, v44  }
0x1d3: {  	v19 =	vld.idx.msk [tilespmem:v52+s25+$0x0], $0xffff;
	v52 =	vtrunc.f32 v55;
	v32 =	vsub.f32 v57, v53;
	v6 =	vsub.f32 v6, v51  }
0x1d4: {  	v47 =	vld [tilespmem:s16+$0x0];
	v57 =	vtrunc.f32 v54;
	v7 =	vsub.f32 v7, v3;
	v61 =	vsub.f32 v61, v60  }
0x1d5: {  	s26 =	sadd.s32 $0xC0, s26;
	v63 =	vsub.f32 v63, v62;
	v9 =	vmul.f32 v9, v2;
	v6 =	vmul.f32 v6, v2  }
0x1d6: {  	s29 =	sadd.s32 $0xFFFFFFE0, s26;
	v42 =	vsub.f32 v42, v41;
	v45 =	vmul.f32 v32, v2;
	v7 =	vmul.f32 v7, v2  }
0x1d7: {  	v40 =	vor.u32 s29, v4;
	v32 =	vadd.s32 $0x30025795, v25;
	v61 =	vmul.f32 v61, v2  }
0x1d8: {  	[tilespmem:$0x1FD40] =	vst v0;
	v0 =	vmul.f32 v63, v2;
	v12 =	vsub.f32 v12, v19;
	v42 =	vmul.f32 v42, v2  }
0x1d9: {  	v63 =	vmul.f32 v47, v17;
	v9 =	vadd.f32 v9, v44;
	v6 =	vadd.f32 v6, v51  }
0x1da: {  	v47 =	vadd.s32 $0x9E3779B1, v14;
	v33 =	vadd.f32 v45, v53;
	v3 =	vadd.f32 v7, v3  }
0x1db: {  	v4 =	vld [tilespmem:$0x1FFE0];
	v44 =	vadd.s32 $0x9E3779B1, v5;
	v51 =	vadd.s32 $0x30025795, v11;
	v45 =	vadd.s32 $0x9E3779B1, v10  }
0x1dc: {  	v35 =	vadd.f32 v61, v60;
	v2 =	vmul.f32 v12, v2;
	v0 =	vadd.f32 v0, v62  }
0x1dd: {  	v7 =	vadd.f32 v42, v41;
	v41 =	vtrunc.f32 v63;
	v42 =	vadd.s32 $0x30025795, v13  }
0x1de: {  	v61 =	vxor.u32 v10, v32;
	v10 =	vxor.u32 v10, v25;
	v12 =	vsub.f32 v33, v9  }
0x1df: {  	[tilespmem:$0x1FDB0] =	vst v16;
	v3 =	vsub.f32 v3, v6;
	v16 =	vand.u32 $0x3FFF, v10;
	v2 =	vadd.f32 v2, v19  }
0x1e0: {  	v0 =	vsub.f32 v0, v35;
	v33 =	vor.u32 s29, v4;
	v4 =	vadd.s32 $0x30025795, v34  }
0x1e1: {  	v12 =	vmul.f32 v12, v1;
	v3 =	vmul.f32 v3, v1;
	v2 =	vsub.f32 v2, v7  }
0x1e2: {  	v19 =	vcvt.f32.s32 v56;
	v53 =	vxor.u32 v8, v4;
	v0 =	vmul.f32 v0, v1  }
0x1e3: {  	v9 =	vadd.f32 v12, v9;
	v3 =	vadd.f32 v3, v6;
	v1 =	vmul.f32 v2, v1  }
0x1e4: {  	v12 =	vcvt.f32.s32 v57;
	v2 =	vcvt.s32.f32 v15;
	v0 =	vadd.f32 v0, v35  }
0x1e5: {  	v6 =	vcvt.f32.s32 v41;
	v57 =	vxor.u32 v5, v51;
	v1 =	vadd.f32 v1, v7  }
0x1e6: {  	v5 =	vxor.u32 v5, v11;
	v2 =	vsub.f32 v23, v2;
	v0 =	vsub.f32 v0, v9  }
0x1e7: {  	v15 =	vadd.s32 $0x9E3779B1, v18;
	v35 =	vadd.s32 $0x9E3779B1, v8;
	v8 =	vxor.u32 v8, v34  }
0x1e8: {  	v56 =	vand.u32 $0x3FFF, v57;
	v1 =	vsub.f32 v1, v3;
	v0 =	vmul.f32 v0, v2  }
0x1e9: {  	v4 =	vxor.u32 v35, v4;
	v23 =	vadd.s32 $0x30025795, v43;
	v7 =	vcvt.f32.s32 v52  }
0x1ea: {  	v1 =	vmul.f32 v1, v2;
	v0 =	vadd.f32 v0, v9;
	v9 =	vxor.u32 v13, v47  }
0x1eb: {  	[tilespmem:$0x1FF60] =	vst v20;
	v20 =	vxor.u32 v7, v56;
	v2 =	vcvt.f32.s32 v46;
	v9 =	vand.u32 $0x3FFF, v9  }
0x1ec: {  	v1 =	vadd.f32 v1, v3;
	v3 =	vxor.u32 v14, v42;
	[tilespmem:v40+s3+$0x0] =	vst.idx.msk $0xffff, v0;
	v40 =	vand.u32 $0x3FFF, v8  }
0x1ed: {  	v10 =	vadd.s32 $0x1, v2;
	v0 =	vadd.s32 $0x1, v6;
	v52 =	vand.u32 $0x3FFF, v3  }
0x1ee: {  	v3 =	vxor.u32 v47, v42;
	v42 =	vxor.u32 v43, v15;
	v15 =	vxor.u32 v15, v23  }
0x1ef: {  	v47 =	vand.u32 $0x3FFF, v4;
	[tilespmem:v33+s3+$0x0] =	vst.idx.msk $0xffff, v1;
	v1 =	vxor.u32 v14, v13;
	v13 =	vxor.u32 v11, v44  }
0x1f0: {  	v14 =	vxor.u32 v44, v51;
	v11 =	vxor.u32 v18, v23;
	v18 =	vxor.u32 v18, v43  }
0x1f1: {  	v23 =	vxor.u32 v25, v45;
	v51 =	vxor.u32 v45, v32;
	v25 =	vxor.u32 v34, v35  }
0x1f2: {  	v3 =	vand.u32 $0x3FFF, v3;
	v42 =	vand.u32 $0x3FFF, v42;
	v15 =	vand.u32 $0x3FFF, v15  }
0x1f3: {  	v44 =	vand.u32 $0x3FFF, v61;
	v45 =	vand.u32 $0x3FFF, v53;
	v4 =	vxor.u32 v2, v52  }
0x1f4: {  	v8 =	vxor.u32 v10, v52;
	v57 =	vand.u32 $0x3FFF, v11;
	v46 =	vand.u32 $0x3FFF, v18  }
0x1f5: {  	v23 =	vand.u32 $0x3FFF, v23;
	v43 =	vand.u32 $0x3FFF, v51;
	v32 =	vand.u32 $0x3FFF, v25  }
0x1f6: {  	v25 =	vadd.s32 $0x1, v12;
	v18 =	vadd.s32 $0x1, v7;
	v51 =	vadd.s32 $0x1, v19  }
0x1f7: {  	[tilespmem:$0x1FDA0] =	vst v21;
	v34 =	vxor.u32 v19, v42;
	v60 =	vxor.u32 v12, v44;
	v21 =	vxor.u32 v18, v56  }
0x1f8: {  	v61 =	vxor.u32 v19, v46;
	v56 =	vxor.u32 v25, v44;
	v62 =	vxor.u32 v51, v46  }
0x1f9: {  	[tilespmem:$0x1FC90] =	vst v22;
	v46 =	vxor.u32 v6, v32;
	v44 =	vxor.u32 v0, v32;
	v32 =	vxor.u32 v6, v47  }
0x1fa: {  	v33 =	vxor.u32 v51, v57;
	v41 =	vxor.u32 v51, v42;
	[tilespmem:$0x1FE10] =	vst v32;
	v32 =	vxor.u32 v12, v16  }
0x1fb: {  	v42 =	vxor.u32 v51, v15;
	v53 =	vxor.u32 v25, v23;
	v51 =	vxor.u32 v25, v43;
	[tilespmem:$0x1FE40] =	vst v32  }
0x1fc: {  	v32 =	vxor.u32 v25, v16;
	v25 =	vxor.u32 v6, v40;
	v16 =	vxor.u32 v0, v40;
	v40 =	vld.idx.msk [tilespmem:v20+s23+$0x0], $0xffff  }
0x1fd: {  	[tilespmem:$0x1FCC0] =	vst v28;
	v13 =	vand.u32 $0x3FFF, v13;
	v1 =	vand.u32 $0x3FFF, v1;
	v11 =	vxor.u32 v2, v9;
	v20 =	vld.idx.msk [tilespmem:v20+s25+$0x0], $0xffff  }
0x1fe: {  	v9 =	vxor.u32 v10, v9;
	v22 =	vxor.u32 v7, v13;
	v24 =	vxor.u32 v18, v13;
	v13 =	vld.idx.msk [tilespmem:v4+s23+$0x0], $0xffff  }
0x1ff: {  	v17 =	vxor.u32 v2, v3;
	v3 =	vxor.u32 v10, v3;
	v28 =	vxor.u32 v10, v1;
	v10 =	vld.idx.msk [tilespmem:v8+s23+$0x0], $0xffff  }
0x200: {  	[tilespmem:$0x1FD90] =	vst v26;
	v5 =	vand.u32 $0x3FFF, v5;
	v4 =	vld.idx.msk [tilespmem:v4+s25+$0x0], $0xffff  }
0x201: {  	[tilespmem:$0x1FCB0] =	vst v29;
	v29 =	vxor.u32 v7, v5;
	v14 =	vand.u32 $0x3FFF, v14;
	v8 =	vld.idx.msk [tilespmem:v8+s25+$0x0], $0xffff  }
0x202: {  	v26 =	vxor.u32 v7, v14;
	v14 =	vxor.u32 v18, v14;
	v18 =	vxor.u32 v18, v5;
	v5 =	vld.idx.msk [tilespmem:v11+s23+$0x0], $0xffff  }
0x203: {  	[tilespmem:$0x1FCE0] =	vst v27;
	v27 =	vxor.u32 v2, v1;
	v1 =	vld.idx.msk [tilespmem:v9+s23+$0x0], $0xffff  }
0x204: {  	v31 =	vxor.u32 v19, v57;
	v57 =	vxor.u32 v12, v23;
	v23 =	vld.idx.msk [tilespmem:v17+s23+$0x0], $0xffff  }
0x205: {  	v35 =	vxor.u32 v19, v15;
	v52 =	vxor.u32 v12, v43;
	v15 =	vxor.u32 v6, v45;
	v43 =	vld.idx.msk [tilespmem:v3+s23+$0x0], $0xffff  }
0x206: {  	v45 =	vxor.u32 v0, v45;
	v47 =	vxor.u32 v0, v47;
	v0 =	vcvt.s32.f32 v2;
	v2 =	vld.idx.msk [tilespmem:v11+s25+$0x0], $0xffff  }
0x207: {  	v17 =	vld.idx.msk [tilespmem:v17+s25+$0x0], $0xffff  }
0x208: {  	v12 =	vcvt.s32.f32 v12;
	v3 =	vld.idx.msk [tilespmem:v3+s25+$0x0], $0xffff  }
0x209: {  	v7 =	vcvt.s32.f32 v7;
	v9 =	vld.idx.msk [tilespmem:v9+s25+$0x0], $0xffff  }
0x20a: {  	v54 =	vsub.f32 v54, v12;
	v11 =	vcvt.s32.f32 v19;
	v12 =	vld.idx.msk [tilespmem:v22+s23+$0x0], $0xffff  }
0x20b: {  	v6 =	vcvt.s32.f32 v6;
	v7 =	vsub.f32 v55, v7;
	v0 =	vsub.f32 v59, v0;
	v22 =	vld.idx.msk [tilespmem:v22+s25+$0x0], $0xffff  }
0x20c: {  	v55 =	vsub.f32 v58, v11;
	v11 =	vld.idx.msk [tilespmem:v21+s23+$0x0], $0xffff;
	v10 =	vsub.f32 v10, v13  }
0x20d: {  	v19 =	vcvt.s32.f32 v30;
	v59 =	vsub.f32 v63, v6;
	v21 =	vld.idx.msk [tilespmem:v21+s25+$0x0], $0xffff;
	v3 =	vsub.f32 v3, v17  }
0x20e: {  	v58 =	vcvt.s32.f32 v49;
	v49 =	vld [tilespmem:$0x1FCE0];
	v8 =	vsub.f32 v8, v4;
	v10 =	vmul.f32 v10, v0  }
0x20f: {  	v1 =	vsub.f32 v1, v5;
	v30 =	vsub.f32 v43, v23;
	v43 =	vld.idx.msk [tilespmem:v35+s23+$0x0], $0xffff;
	v3 =	vmul.f32 v3, v0  }
0x210: {  	v9 =	vsub.f32 v9, v2;
	v13 =	vadd.f32 v10, v13;
	v10 =	vld.idx.msk [tilespmem:v24+s23+$0x0], $0xffff  }
0x211: {  	v1 =	vmul.f32 v1, v0;
	v6 =	vmul.f32 v30, v0;
	v3 =	vadd.f32 v3, v17;
	v17 =	vld.idx.msk [tilespmem:v24+s25+$0x0], $0xffff  }
0x212: {  	v8 =	vmul.f32 v8, v0;
	v30 =	vcvt.s32.f32 v50;
	v24 =	vld [tilespmem:$0x1FCB0]  }
0x213: {  	v50 =	vld.idx.msk [tilespmem:v28+s23+$0x0], $0xffff;
	v1 =	vadd.f32 v1, v5;
	v5 =	vadd.f32 v6, v23;
	v6 =	vmul.f32 v9, v0  }
0x214: {  	v4 =	vadd.f32 v8, v4;
	v8 =	vld.idx.msk [tilespmem:v14+s23+$0x0], $0xffff  }
0x215: {  	v9 =	vcvt.s32.f32 v48;
	v2 =	vadd.f32 v6, v2;
	v6 =	vld [tilespmem:$0x1FC80]  }
0x216: {  	v23 =	vld.idx.msk [tilespmem:v26+s23+$0x0], $0xffff  }
0x217: {  	v63 =	vsub.f32 v24, v9;
	v9 =	vld [tilespmem:$0x1FCC0]  }
0x218: {  	v48 =	vld [tilespmem:$0x1FCA0]  }
0x219: {  	v5 =	vsub.f32 v5, v1;
	v24 =	vld.idx.msk [tilespmem:v26+s25+$0x0], $0xffff  }
0x21a: {  	v10 =	vsub.f32 v10, v12;
	v26 =	vld [tilespmem:$0x1FCD0];
	v19 =	vsub.f32 v6, v19  }
0x21b: {  	v3 =	vsub.f32 v3, v2;
	v6 =	vld [tilespmem:$0x1FC90]  }
0x21c: {  	v5 =	vmul.f32 v5, v19;
	v30 =	vsub.f32 v9, v30;
	v9 =	vmul.f32 v10, v7;
	v10 =	vld.idx.msk [tilespmem:v14+s25+$0x0], $0xffff  }
0x21d: {  	v14 =	vld.idx.msk [tilespmem:v27+s23+$0x0], $0xffff  }
0x21e: {  	v3 =	vmul.f32 v3, v19;
	v1 =	vadd.f32 v5, v1;
	v5 =	vld.idx.msk [tilespmem:v27+s25+$0x0], $0xffff  }
0x21f: {  	v11 =	vsub.f32 v11, v40;
	v27 =	vld [tilespmem:$0x1FD00]  }
0x220: {  	v36 =	vcvt.s32.f32 v36;
	v8 =	vsub.f32 v8, v23;
	v3 =	vadd.f32 v3, v2;
	v2 =	vld.idx.msk [tilespmem:v29+s23+$0x0], $0xffff  }
0x221: {  	v12 =	vadd.f32 v9, v12;
	v9 =	vsub.f32 v21, v20;
	v21 =	vld [tilespmem:$0x1FCF0]  }
0x222: {  	v26 =	vmul.f32 v26, v38;
	v6 =	vsub.f32 v6, v36;
	v36 =	vmul.f32 v48, v38;
	v38 =	vld.idx.msk [tilespmem:v33+s23+$0x0], $0xffff  }
0x223: {  	v17 =	vsub.f32 v17, v22;
	v48 =	vsub.f32 v49, v58;
	v49 =	vld [tilespmem:$0x1FD70];
	v9 =	vmul.f32 v9, v7  }
0x224: {  	v11 =	vmul.f32 v11, v7;
	v58 =	vadd.f32 v26, v27;
	v26 =	vld.idx.msk [tilespmem:v18+s23+$0x0], $0xffff  }
0x225: {  	v8 =	vmul.f32 v8, v7;
	v20 =	vadd.f32 v9, v20;
	v9 =	vmul.f32 v17, v7;
	v17 =	vld [tilespmem:$0x1FD10]  }
0x226: {  	v11 =	vadd.f32 v11, v40;
	v10 =	vsub.f32 v10, v24;
	v18 =	vld.idx.msk [tilespmem:v18+s25+$0x0], $0xffff  }
0x227: {  	v8 =	vadd.f32 v8, v23;
	v40 =	vadd.f32 v36, v21;
	v21 =	vld.idx.msk [tilespmem:v28+s25+$0x0], $0xffff  }
0x228: {  	v28 =	vld.idx.msk [tilespmem:v29+s25+$0x0], $0xffff;
	v10 =	vmul.f32 v10, v7  }
0x229: {  	v8 =	vsub.f32 v8, v12;
	v36 =	vcvt.s32.f32 v37;
	v37 =	vld.idx.msk [tilespmem:v31+s23+$0x0], $0xffff  }
0x22a: {  	v22 =	vadd.f32 v9, v22;
	v24 =	vadd.f32 v10, v24;
	v10 =	vld [tilespmem:$0x1FD40]  }
0x22b: {  	v27 =	vcvt.s32.f32 v17;
	v17 =	vld [tilespmem:$0x1FD20]  }
0x22c: {  	v8 =	vmul.f32 v8, v6;
	v31 =	vld.idx.msk [tilespmem:v31+s25+$0x0], $0xffff;
	v24 =	vsub.f32 v24, v22  }
0x22d: {  	v9 =	vld [tilespmem:$0x1FD30]  }
0x22e: {  	v8 =	vadd.f32 v8, v12;
	v12 =	vld.idx.msk [tilespmem:v34+s23+$0x0], $0xffff;
	v24 =	vmul.f32 v24, v6  }
0x22f: {  	v23 =	vcvt.s32.f32 v39;
	v39 =	vcvt.s32.f32 v10;
	v10 =	vld [tilespmem:$0x1FD50]  }
0x230: {  	v22 =	vadd.f32 v24, v22;
	v24 =	vld.idx.msk [tilespmem:v34+s25+$0x0], $0xffff;
	v29 =	vcvt.s32.f32 v17;
	v17 =	vsub.f32 v50, v14  }
0x231: {  	v21 =	vsub.f32 v21, v5;
	v50 =	vld [tilespmem:$0x1FD90]  }
0x232: {  	v34 =	vld.idx.msk [tilespmem:v15+s23+$0x0], $0xffff;
	v17 =	vmul.f32 v17, v0  }
0x233: {  	v0 =	vmul.f32 v21, v0;
	v21 =	vsub.f32 v26, v2;
	v26 =	vld.idx.msk [tilespmem:v41+s23+$0x0], $0xffff  }
0x234: {  	v14 =	vadd.f32 v17, v14;
	v17 =	vld [tilespmem:$0x1FD60]  }
0x235: {  	v18 =	vsub.f32 v18, v28;
	v0 =	vadd.f32 v0, v5;
	v5 =	vmul.f32 v21, v7;
	v21 =	vld.idx.msk [tilespmem:v42+s23+$0x0], $0xffff  }
0x236: {  	v27 =	vsub.f32 v50, v27;
	v50 =	vld.idx.msk [tilespmem:v60+s23+$0x0], $0xffff;
	v13 =	vsub.f32 v13, v14  }
0x237: {  	v5 =	vadd.f32 v5, v2;
	v2 =	vmul.f32 v18, v7;
	v7 =	vsub.f32 v38, v37;
	v18 =	vld.idx.msk [tilespmem:v33+s25+$0x0], $0xffff  }
0x238: {  	v4 =	vsub.f32 v4, v0;
	v38 =	vld.idx.msk [tilespmem:v41+s25+$0x0], $0xffff;
	v26 =	vsub.f32 v26, v12  }
0x239: {  	v13 =	vmul.f32 v13, v19;
	v28 =	vadd.f32 v2, v28;
	v23 =	vsub.f32 v17, v23;
	v17 =	vld [tilespmem:$0x1FD80]  }
0x23a: {  	v4 =	vmul.f32 v4, v19;
	v11 =	vsub.f32 v11, v5;
	v19 =	vsub.f32 v21, v43;
	v21 =	vld.idx.msk [tilespmem:v42+s25+$0x0], $0xffff  }
0x23b: {  	v2 =	vadd.f32 v13, v14;
	v13 =	vld.idx.msk [tilespmem:v35+s25+$0x0], $0xffff;
	v14 =	vmul.f32 v26, v55  }
0x23c: {  	v0 =	vadd.f32 v4, v0;
	v4 =	vmul.f32 v11, v6;
	v11 =	vsub.f32 v20, v28;
	v20 =	vld.idx.msk [tilespmem:v61+s23+$0x0], $0xffff  }
0x23d: {  	v26 =	vld.idx.msk [tilespmem:v62+s23+$0x0], $0xffff;
	v12 =	vadd.f32 v14, v12  }
0x23e: {  	v14 =	vmul.f32 v19, v55;
	v19 =	vsub.f32 v1, v2;
	v1 =	vadd.f32 v4, v5;
	v5 =	vld.idx.msk [tilespmem:v61+s25+$0x0], $0xffff  }
0x23f: {  	v61 =	vld.idx.msk [tilespmem:v60+s25+$0x0], $0xffff  }
0x240: {  	v60 =	vld [tilespmem:$0x1FE10]  }
0x241: {  	v18 =	vsub.f32 v18, v31;
	v4 =	vmul.f32 v11, v6;
	v11 =	vadd.f32 v14, v43;
	v43 =	vld [tilespmem:$0x1FFD0]  }
0x242: {  	v33 =	vsub.f32 v38, v24;
	v14 =	vld.idx.msk [tilespmem:v62+s25+$0x0], $0xffff  }
0x243: {  	v3 =	vsub.f32 v3, v0;
	v18 =	vmul.f32 v18, v55;
	v6 =	vadd.f32 v4, v28;
	v4 =	vld.idx.msk [tilespmem:v56+s23+$0x0], $0xffff  }
0x244: {  	v19 =	vmul.f32 v19, v23;
	v28 =	vmul.f32 v33, v55;
	v33 =	vld.idx.msk [tilespmem:v52+s23+$0x0], $0xffff  }
0x245: {  	v23 =	vmul.f32 v3, v23;
	v3 =	vsub.f32 v8, v1;
	v18 =	vadd.f32 v18, v31;
	v31 =	vld.idx.msk [tilespmem:v57+s23+$0x0], $0xffff  }
0x246: {  	v8 =	vsub.f32 v11, v12;
	v11 =	vld.idx.msk [tilespmem:v53+s23+$0x0], $0xffff;
	v22 =	vsub.f32 v22, v6  }
0x247: {  	v21 =	vsub.f32 v21, v13;
	v24 =	vadd.f32 v28, v24;
	v28 =	vld [tilespmem:$0x1FDA0]  }
0x248: {  	v41 =	vmul.f32 v22, v27;
	v22 =	vld.idx.msk [tilespmem:v53+s25+$0x0], $0xffff  }
0x249: {  	v7 =	vmul.f32 v7, v55;
	v26 =	vsub.f32 v26, v20;
	v21 =	vmul.f32 v21, v55;
	v53 =	vld [tilespmem:$0x1FDD0]  }
0x24a: {  	v38 =	vmul.f32 v3, v27;
	v8 =	vmul.f32 v8, v30;
	v27 =	vld.idx.msk [tilespmem:v52+s25+$0x0], $0xffff  }
0x24b: {  	v26 =	vmul.f32 v26, v55;
	v14 =	vsub.f32 v14, v5;
	v13 =	vadd.f32 v21, v13;
	v21 =	vld [tilespmem:$0x1FDB0]  }
0x24c: {  	v7 =	vadd.f32 v7, v37;
	v52 =	vld [tilespmem:$0x1FDE0];
	v3 =	vadd.f32 v8, v12  }
0x24d: {  	v8 =	vld.idx.msk [tilespmem:v56+s25+$0x0], $0xffff;
	v12 =	vadd.f32 v26, v20;
	v14 =	vmul.f32 v14, v55;
	v13 =	vsub.f32 v13, v24  }
0x24e: {  	v62 =	vmov v32;
	v20 =	vld.idx.msk [tilespmem:v57+s25+$0x0], $0xffff  }
0x24f: {  	v14 =	vadd.f32 v14, v5;
	v5 =	vsub.f32 v7, v12;
	v7 =	vmul.f32 v13, v30;
	v13 =	vld [tilespmem:$0x1FDF0]  }
0x250: {  	v36 =	vsub.f32 v21, v36;
	v21 =	vld [tilespmem:$0x1FDC0]  }
0x251: {  	v9 =	vsub.f32 v9, v40;
	v35 =	vsub.f32 v28, v29;
	v29 =	vld.idx.msk [tilespmem:v51+s23+$0x0], $0xffff  }
0x252: {  	v4 =	vsub.f32 v4, v50;
	v57 =	vld [tilespmem:$0x1FE00];
	v11 =	vsub.f32 v11, v31;
	v5 =	vmul.f32 v5, v30  }
0x253: {  	v37 =	vld.idx.msk [tilespmem:v62+s23+$0x0], $0xffff;
	v18 =	vsub.f32 v18, v14;
	v7 =	vadd.f32 v7, v24  }
0x254: {  	v4 =	vmul.f32 v4, v54;
	v8 =	vsub.f32 v8, v61;
	v24 =	vld.idx.msk [tilespmem:v45+s23+$0x0], $0xffff;
	v55 =	vadd.f32 v5, v12  }
0x255: {  	v12 =	vmul.f32 v18, v30;
	v28 =	vmul.f32 v13, v49;
	v13 =	vld.idx.msk [tilespmem:v51+s25+$0x0], $0xffff;
	v26 =	vsub.f32 v21, v39  }
0x256: {  	v30 =	vld.idx.msk [tilespmem:v44+s23+$0x0], $0xffff;
	v21 =	vadd.f32 v4, v50;
	v4 =	vmul.f32 v11, v54;
	v11 =	vsub.f32 v29, v33  }
0x257: {  	v10 =	vsub.f32 v10, v58;
	v5 =	vmul.f32 v9, v57;
	v8 =	vmul.f32 v8, v54;
	v9 =	vld.idx.msk [tilespmem:v60+s23+$0x0], $0xffff  }
0x258: {  	v18 =	vsub.f32 v22, v20;
	v39 =	vld.idx.msk [tilespmem:v46+s23+$0x0], $0xffff;
	v29 =	vadd.f32 v12, v14;
	v11 =	vmul.f32 v11, v54  }
0x259: {  	v22 =	vadd.f32 v8, v61;
	v61 =	vld.idx.msk [tilespmem:v45+s25+$0x0], $0xffff;
	v4 =	vadd.f32 v4, v31  }
0x25a: {  	v8 =	vmul.f32 v18, v54;
	v45 =	vld [tilespmem:$0x1FE20];
	v11 =	vadd.f32 v11, v33;
	v12 =	vsub.f32 v13, v27  }
0x25b: {  	v31 =	vsub.f32 v3, v55;
	v3 =	vmul.f32 v10, v57;
	v10 =	vld.idx.msk [tilespmem:v15+s25+$0x0], $0xffff;
	v18 =	vsub.f32 v7, v29  }
0x25c: {  	v7 =	vld.idx.msk [tilespmem:v46+s25+$0x0], $0xffff;
	v14 =	vsub.f32 v11, v4;
	v11 =	vadd.f32 v8, v20;
	v8 =	vmul.f32 v12, v54  }
0x25d: {  	v46 =	vld [tilespmem:$0x1FF60];
	v20 =	vadd.f32 v19, v2  }
0x25e: {  	v19 =	vmul.f32 v18, v35;
	v18 =	vadd.f32 v8, v27;
	v27 =	vadd.f32 v23, v0;
	v23 =	vld [tilespmem:$0x1FE40]  }
0x25f: {  	v13 =	vld.idx.msk [tilespmem:v47+s23+$0x0], $0xffff  }
0x260: {  	v57 =	vld [tilespmem:$0x1FFE0]  }
0x261: {  	s8 =	sadd.s32 $0x6, s8;
	v15 =	vmul.f32 v31, v35;
	v33 =	vadd.f32 v41, v6;
	v41 =	vld [tilespmem:$0x1FF00];
	v12 =	vsub.f32 v24, v34  }
0x262: {  	p1 =	slt.u32 s8, $0xF6;
	v31 =	vadd.f32 v38, v1;
	v2 =	vld.idx.msk [tilespmem:v60+s25+$0x0], $0xffff;
	v14 =	vmul.f32 v14, v63  }
.Ltmp2:
0x263: {  	v35 =	vld.idx.msk [tilespmem:v47+s25+$0x0], $0xffff;
	v32 =	vadd.f32 v15, v55;
	v8 =	vmul.f32 v12, v59;
	v12 =	vsub.f32 v30, v39;
	(pc) =	sbr.rel @p1 .LBB2_3-.Ltmp2, $4  }
0x264: {  	s22 =	sadd.s32 $0xFFFFFF60, s26;
	v17 =	vmul.f32 v17, v49;
	v47 =	vld [tilespmem:$0x1FE30];
	v13 =	vsub.f32 v13, v9;
	v24 =	vadd.f32 v14, v4  }
0x265: {  	v51 =	vmovc v36;
	v30 =	vld.idx.msk [tilespmem:v44+s25+$0x0], $0xffff;
	v4 =	vor.u32 s22, v43;
	v12 =	vmul.f32 v12, v59;
	v14 =	vsub.f32 v18, v11  }
0x266: {  	v49 =	vmovc v26;
	v0 =	vadd.f32 v8, v34;
	v18 =	vor.u32 s22, v57;
	v38 =	vmul.f32 v13, v59;
	v8 =	vld.idx.msk [tilespmem:v23+s23+$0x0], $0xffff  }
0x267: {  	s1 =	sadd.s32 $0xFFFFFF80, s26;
	s2 =	sadd.s32 $0xFFFFFFA0, s26;
	s0 =	sadd.s32 $0xFFFFFFC0, s26;
	v12 =	vadd.f32 v12, v39;
	v39 =	vsub.f32 v61, v10;
	v36 =	vmul.f32 v14, v63;
	v1 =	vld.idx.msk [tilespmem:v23+s25+$0x0], $0xffff  }
0x268: {  	_ =	sdelay $0x3  }
0x269: {  	v6 =	vld.idx.msk [tilespmem:v62+s25+$0x0], $0xffff  }
0x26a: {  	v9 =	vadd.f32 v38, v9;
	v15 =	vld.idx.msk [tilespmem:v25+s23+$0x0], $0xffff;
	v19 =	vadd.f32 v19, v29  }
0x26b: {  	v23 =	vld.idx.msk [tilespmem:v16+s23+$0x0], $0xffff;
	v60 =	vsub.f32 v35, v2;
	v17 =	vadd.f32 v17, v46  }
0x26c: {  	v61 =	vld.idx.msk [tilespmem:v25+s25+$0x0], $0xffff;
	v34 =	vadd.f32 v28, v41;
	v5 =	vadd.f32 v5, v40  }
0x26d: {  	v62 =	vld.idx.msk [tilespmem:v16+s25+$0x0], $0xffff;
	v3 =	vadd.f32 v3, v58;
	v41 =	vor.u32 s0, v43;
	v11 =	vadd.f32 v36, v11  }
0x26e: {  	v13 =	vmul.f32 v39, v59;
	v14 =	vsub.f32 v30, v7;
	v9 =	vsub.f32 v9, v12  }
0x26f: {  	v46 =	vor.u32 s0, v57;
	v30 =	vmul.f32 v60, v59;
	[tilespmem:v53+s3+$0x0] =	vst.idx.msk $0xffff, v17;
	v26 =	vsub.f32 v37, v8  }
0x270: {  	v55 =	vor.u32 s26, v57;
	[tilespmem:v52+s3+$0x0] =	vst.idx.msk $0xffff, v5;
	v56 =	vmul.f32 v14, v59;
	v6 =	vsub.f32 v6, v1  }
0x271: {  	v35 =	vadd.f32 v30, v2;
	v26 =	vmul.f32 v26, v54;
	v37 =	vsub.f32 v23, v15  }
0x272: {  	v16 =	vsub.f32 v62, v61;
	v29 =	vadd.f32 v56, v7;
	v6 =	vmul.f32 v6, v54  }
0x273: {  	v10 =	vadd.f32 v13, v10;
	v38 =	vadd.f32 v26, v8;
	v13 =	vmul.f32 v37, v59  }
0x274: {  	v40 =	vmul.f32 v16, v59;
	v2 =	vsub.f32 v35, v29;
	v39 =	vadd.f32 v6, v1  }
0x275: {  	v36 =	vor.u32 s2, v43;
	[tilespmem:v47+s3+$0x0] =	vst.idx.msk $0xffff, v34;
	v42 =	vsub.f32 v21, v38;
	v13 =	vadd.f32 v13, v15  }
0x276: {  	v53 =	vor.u32 s26, v43;
	[tilespmem:v45+s3+$0x0] =	vst.idx.msk $0xffff, v3;
	v6 =	vadd.f32 v40, v61;
	v44 =	vsub.f32 v22, v39  }
0x277: {  	v9 =	vmul.f32 v9, v48;
	v17 =	vmul.f32 v42, v63;
	v0 =	vsub.f32 v0, v13  }
0x278: {  	v2 =	vmul.f32 v2, v48;
	v47 =	vsub.f32 v10, v6;
	v50 =	vmul.f32 v44, v63  }
0x279: {  	v9 =	vadd.f32 v9, v12;
	v8 =	vadd.f32 v17, v38;
	v0 =	vmul.f32 v0, v48  }
0x27a: {  	v2 =	vadd.f32 v2, v29;
	v7 =	vmul.f32 v47, v48;
	v1 =	vadd.f32 v50, v39  }
0x27b: {  	v23 =	vor.u32 s2, v57;
	[tilespmem:v41+s3+$0x0] =	vst.idx.msk $0xffff, v31;
	v54 =	vsub.f32 v24, v8;
	v0 =	vadd.f32 v0, v13  }
0x27c: {  	[tilespmem:v36+s3+$0x0] =	vst.idx.msk $0xffff, v20;
	v6 =	vadd.f32 v7, v6;
	v11 =	vsub.f32 v11, v1  }
0x27d: {  	[tilespmem:v46+s3+$0x0] =	vst.idx.msk $0xffff, v33;
	v56 =	vsub.f32 v9, v0;
	v58 =	vmul.f32 v54, v51  }
0x27e: {  	v59 =	vor.u32 s1, v43;
	[tilespmem:v53+s3+$0x0] =	vst.idx.msk $0xffff, v32;
	v2 =	vsub.f32 v2, v6;
	v60 =	vmul.f32 v11, v51  }
0x27f: {  	[tilespmem:v55+s3+$0x0] =	vst.idx.msk $0xffff, v19;
	v61 =	vor.u32 s1, v57;
	v62 =	vmul.f32 v56, v49;
	v63 =	vadd.f32 v58, v8  }
0x280: {  	[tilespmem:v23+s3+$0x0] =	vst.idx.msk $0xffff, v27;
	v2 =	vmul.f32 v2, v49;
	v1 =	vadd.f32 v60, v1  }
0x281: {  	v0 =	vadd.f32 v62, v0;
	[tilespmem:v4+s3+$0x0] =	vst.idx.msk $0xffff, v63  }
0x282: {  	v2 =	vadd.f32 v2, v6;
	[tilespmem:v18+s3+$0x0] =	vst.idx.msk $0xffff, v1  }
0x283: {  	[tilespmem:v59+s3+$0x0] =	vst.idx.msk $0xffff, v0  }
0x284: {  	[tilespmem:v61+s3+$0x0] =	vst.idx.msk $0xffff, v2  }
0x285: {  	s0 =	smov.u32 s9;
	v22 =	vld [tilespmem:$0x1FFF0]  }
.LBB2_5:
0x286: {  	s1 =	sand.u32 $0x1F80, s0  }
0x287: {  	s2 =	sadd.s32 s1, s31  }
0x288: {  	s4 =	sadd.s32 s1, s15;
	v0 =	vld [tilespmem:s2+$0x0]  }
0x289: {  	v1 =	vld [tilespmem:s4+$0x0];
	_ =	sdelay $0x2  }
0x28a: {  	s1 =	sadd.s32 s1, s20  }
0x28b: {  	v2 =	vld [tilespmem:s1+$0x0]  }
0x28c: {  	v0 =	vmul.f32 v0, v22;
	v1 =	vmul.f32 v1, v22;
	_ =	sdelay $0x1  }
0x28d: {  	v3 =	vtrunc.f32 v0;
	v4 =	vtrunc.f32 v1  }
0x28e: {  	v3 =	vcvt.f32.s32 v3;
	v4 =	vcvt.f32.s32 v4  }
0x28f: {  	v2 =	vmul.f32 v2, v22  }
0x290: {  	v5 =	vmul.u32 $0x9E3779B1, v3;
	v6 =	vmul.u32 $0x30025795, v4  }
0x291: {  	v7 =	vtrunc.f32 v2  }
0x292: {  	v7 =	vcvt.f32.s32 v7;
	v8 =	vxor.u32 v5, v6  }
0x293: {  	v8 =	vand.u32 $0x3FFF, v8  }
0x294: {  	v10 =	vadd.s32 $0x1, v7;
	v12 =	vxor.u32 v7, v8  }
0x295: {  	v9 =	vadd.s32 $0x30025795, v6;
	v8 =	vxor.u32 v10, v8  }
0x296: {  	v11 =	vxor.u32 v5, v9  }
0x297: {  	v11 =	vand.u32 $0x3FFF, v11  }
0x298: {  	v13 =	vxor.u32 v7, v11  }
0x299: {  	v5 =	vadd.s32 $0x9E3779B1, v5;
	v11 =	vxor.u32 v10, v11;
	v14 =	vld.idx.msk [tilespmem:v12+s23+$0x0], $0xffff  }
0x29a: {  	v6 =	vxor.u32 v6, v5;
	v15 =	vld.idx.msk [tilespmem:v8+s23+$0x0], $0xffff  }
0x29b: {  	v6 =	vand.u32 $0x3FFF, v6;
	v12 =	vld.idx.msk [tilespmem:v12+s25+$0x0], $0xffff  }
0x29c: {  	v5 =	vxor.u32 v5, v9;
	v46 =	vxor.u32 v7, v6;
	v8 =	vld.idx.msk [tilespmem:v8+s25+$0x0], $0xffff  }
0x29d: {  	v5 =	vand.u32 $0x3FFF, v5;
	v6 =	vxor.u32 v10, v6;
	v17 =	vld.idx.msk [tilespmem:v13+s23+$0x0], $0xffff  }
0x29e: {  	v16 =	vxor.u32 v7, v5;
	v47 =	vld.idx.msk [tilespmem:v11+s23+$0x0], $0xffff  }
0x29f: {  	v5 =	vxor.u32 v10, v5;
	v13 =	vld.idx.msk [tilespmem:v13+s25+$0x0], $0xffff  }
0x2a0: {  	v11 =	vld.idx.msk [tilespmem:v11+s25+$0x0], $0xffff  }
0x2a1: {  	v18 =	vld.idx.msk [tilespmem:v46+s23+$0x0], $0xffff  }
0x2a2: {  	v19 =	vld.idx.msk [tilespmem:v6+s23+$0x0], $0xffff  }
0x2a3: {  	v20 =	vld.idx.msk [tilespmem:v16+s23+$0x0], $0xffff  }
0x2a4: {  	v21 =	vld.idx.msk [tilespmem:v5+s23+$0x0], $0xffff  }
0x2a5: {  	v9 =	vld.idx.msk [tilespmem:v46+s25+$0x0], $0xffff  }
0x2a6: {  	v4 =	vcvt.s32.f32 v4;
	v6 =	vld.idx.msk [tilespmem:v6+s25+$0x0], $0xffff  }
0x2a7: {  	v7 =	vcvt.s32.f32 v7;
	v49 =	vld.idx.msk [tilespmem:v16+s25+$0x0], $0xffff  }
0x2a8: {  	v1 =	vsub.f32 v1, v4;
	v5 =	vld.idx.msk [tilespmem:v5+s25+$0x0], $0xffff  }
0x2a9: {  	v2 =	vsub.f32 v2, v7;
	v48 =	vsub.f32 v15, v14  }
0x2aa: {  	v8 =	vsub.f32 v8, v12;
	v10 =	vsub.f32 v47, v17  }
0x2ab: {  	v11 =	vsub.f32 v11, v13;
	v51 =	vsub.f32 v19, v18  }
0x2ac: {  	v7 =	vmul.f32 v48, v2;
	v52 =	vsub.f32 v21, v20;
	v6 =	vsub.f32 v6, v9  }
0x2ad: {  	v5 =	vsub.f32 v5, v49;
	v8 =	vmul.f32 v8, v2;
	v50 =	vmul.f32 v10, v2  }
0x2ae: {  	v11 =	vmul.f32 v11, v2;
	v7 =	vadd.f32 v7, v14;
	v10 =	vmul.f32 v51, v2  }
0x2af: {  	v14 =	vmul.f32 v52, v2;
	v6 =	vmul.f32 v6, v2;
	v53 =	vadd.f32 v8, v12  }
0x2b0: {  	v2 =	vmul.f32 v5, v2;
	v4 =	vadd.f32 v50, v17;
	v54 =	vadd.f32 v11, v13  }
0x2b1: {  	v10 =	vadd.f32 v10, v18;
	v14 =	vadd.f32 v14, v20  }
0x2b2: {  	v6 =	vadd.f32 v6, v9;
	v2 =	vadd.f32 v2, v49  }
0x2b3: {  	v4 =	vsub.f32 v4, v7;
	v55 =	vsub.f32 v14, v10  }
0x2b4: {  	v8 =	vsub.f32 v54, v53;
	v2 =	vsub.f32 v2, v6  }
0x2b5: {  	v4 =	vmul.f32 v4, v1;
	v9 =	vmul.f32 v55, v1  }
0x2b6: {  	v8 =	vmul.f32 v8, v1;
	v1 =	vmul.f32 v2, v1  }
0x2b7: {  	v56 =	vcvt.s32.f32 v3;
	v58 =	vadd.f32 v4, v7;
	v59 =	vadd.f32 v9, v10  }
0x2b8: {  	v5 =	vadd.f32 v8, v53;
	v1 =	vadd.f32 v1, v6  }
0x2b9: {  	v0 =	vsub.f32 v0, v56;
	v60 =	vsub.f32 v59, v58  }
0x2ba: {  	v61 =	vor.u32 s19, v43;
	v1 =	vsub.f32 v1, v5  }
0x2bb: {  	v62 =	vor.u32 s19, v57;
	p1 =	sne.s32 s19, $0x1FE0;
	v2 =	vmul.f32 v60, v0  }
.Ltmp3:
0x2bc: {  	v0 =	vmul.f32 v1, v0;
	(pc) =	sbr.rel @p1 .LBB2_5-.Ltmp3, $4  }
0x2bd: {  	v63 =	vadd.f32 v2, v58  }
0x2be: {  	v0 =	vadd.f32 v0, v5  }
0x2bf: {  	s0 =	sadd.s32 $0x10, s0;
	s19 =	sadd.s32 $0x20, s19;
	[tilespmem:v61+s3+$0x0] =	vst.idx.msk $0xffff, v63  }
0x2c0: {  	s20 =	sadd.s32 $0x10, s20;
	s31 =	sadd.s32 $0x10, s31;
	s15 =	sadd.s32 $0x10, s15;
	[tilespmem:v62+s3+$0x0] =	vst.idx.msk $0xffff, v0  }
0x2c1: {  	p2 =	seq.s32 s11, $0x1F  }
0x2c2: {  	s1 =	simm.s32 @!p2 $0x1  }
0x2c3: {  	_ =	swait.ge @!p2 [sflag:s1], $0x1000  }
0x2c4: {  	[sflag:s1] =	ssyncset.done @!p2 $0x0  }
0x2c5: {  	[sflag:s1] =	ssyncadd.s32 @!p2 $0xFFFFF000  }
0x2c6: {  	_ =	swait.ge @!p2 [sflag:s1], $0x1000  }
0x2c7: {  	[sflag:s1] =	ssyncset.done @!p2 $0x0  }
0x2c8: {  	p1 =	sgt.u32 @!p2 s11, $0x1D;
	s0 =	rddreg [dreg:$0x7];
	[sflag:s1] =	ssyncadd.s32 @!p2 $0xFFFFF000  }
0x2c9: {  	p1 =	por p2, p1;
	s0 =	sadd.s32 s0, s14;
	_ =	swait.ge @!p2 [sflag:s1], $0x1000  }
0x2ca: {  	s2 =	sshrl.u32 @!p1 s0, $0x3;
	[sflag:s1] =	ssyncset.done @!p2 $0x0  }
0x2cb: {  	s2 =	sadd.s32 @!p1 $0x400, s2;
	[sflag:s1] =	ssyncadd.s32 @!p2 $0xFFFFF000;
	s1 =	rddreg [dreg:$0x5]  }
0x2cc: {  	s4 =	simm.s32 @!p1 $0x0;
	s1 =	sadd.s32 @!p1 s1, s2  }
0x2cd: {  	[tilespmem:s13], [sflag:$0x1] =	stream.linear.gather @!p1 [hbm4b:s1+s4], $0x1000, $0x38;
	[tilespmem:$0x1C000] =	vst v63  }
0x2ce: {  	s5 =	sadd.s32 @!p1 s18, s2;
	s1 =	sor.u32 @!p1 $0x2000, s13  }
0x2cf: {  	[tilespmem:s1], [sflag:$0x1] =	stream.linear.gather @!p1 [hbm4b:s5+s4], $0x1000, $0x38;
	[tilespmem:$0x1C000] =	vst v63  }
0x2d0: {  	s5 =	rddreg [dreg:$0x1]  }
0x2d1: {  	p2 =	sne.s32 @!p1 s11, $0x0;
	s1 =	sor.u32 @!p1 $0x4000, s13;
	s2 =	sadd.s32 @!p1 s5, s2  }
0x2d2: {  	[tilespmem:s1], [sflag:$0x1] =	stream.linear.gather @!p1 [hbm4b:s2+s4], $0x1000, $0x38;
	[tilespmem:$0x1C000] =	vst v63  }
0x2d3: {  	p1 =	por p1, p2  }
.Ltmp4:
0x2d4: {  	_ = 	snop;
	(pc) =	sbr.rel @!p1 .LBB2_7-.Ltmp4, $1  }
0x2d5: {  	_ =	sdelay $0x3  }
0x2d6: {  	s1 =	simm.s32 $0x0;
	v1 =	vlaneseq.u32  }
0x2d7: {  	s2 =	simm.s32 $0x6;
	s4 =	simm.s32 $0x2;
	s22 =	simm.s32 $0x4;
	v2 =	vmov s1;
	v0 =	vand.u32 $0x1, v1;
	v1 =	vshrl.u32 v1, $0x1  }
0x2d8: {  	s29 =	simm.s32 $0xE;
	s31 =	simm.s32 $0xC;
	v3 =	vmov s2;
	v5 =	vmov s4;
	v7 =	vmov s22  }
0x2d9: {  	v11 =	vmov s29;
	v15 =	vmov s31;
	v1 =	vmul.u32 $0x80, v1  }
0x2da: {  	v4 =	vor.u32 s2, v0;
	v3 =	vshll.u32 v3, $0x3;
	v5 =	vshll.u32 v5, $0x3  }
0x2db: {  	s5 =	simm.s32 $0x2;
	v8 =	vor.u32 s1, v0;
	v9 =	vor.u32 s4, v0;
	v10 =	vor.u32 s22, v0  }
0x2dc: {  	_ =	swait.ge [sflag:s5], $0x2000;
	v4 =	vand.u32 $0x7F, v4;
	v6 =	vand.u32 $0xC00, v3;
	v5 =	vand.u32 $0xC00, v5  }
0x2dd: {  	[sflag:s5] =	ssyncset.done $0x0;
	v9 =	vand.u32 $0x7B, v9;
	v3 =	vor.u32 $0x1000, v1;
	v4 =	vor.u32 v6, v4  }
0x2de: {  	p1 =	slt.u32 s11, $0x2;
	[sflag:s5] =	ssyncadd.s32 $0xFFFFE000;
	v6 =	vshll.u32 v7, $0x3;
	v5 =	vor.u32 v5, v9;
	v7 =	vor.u32 v3, v4  }
0x2df: {  	s30 =	simm.s32 $0xA;
	v2 =	vshll.u32 v2, $0x3;
	s1 =	simm.s32 @!p1 $0x3;
	[bflag:$0x0] =	sbarrier.arrive $0xFFFF;
	v9 =	vand.u32 $0x7D, v10;
	v10 =	vor.u32 v1, v5  }
0x2e0: {  	v11 =	vshll.u32 v11, $0x3;
	v19 =	vor.u32 s30, v0;
	_ =	swait.ge @!p1 [sflag:s1], $0x8000;
	v5 =	vor.u32 v3, v5  }
0x2e1: {  	v8 =	vand.u32 $0x79, v8;
	v2 =	vand.u32 $0xC00, v2;
	v6 =	vand.u32 $0xC00, v6;
	[sflag:s1] =	ssyncset.done @!p1 $0x0  }
0x2e2: {  	v2 =	vor.u32 v2, v8;
	v4 =	vor.u32 v1, v4;
	v6 =	vor.u32 v6, v9;
	[sflag:s1] =	ssyncadd.s32 @!p1 $0xFFFF8000  }
0x2e3: {  	v63 =	vand.u32 $0x7B, v19;
	v13 =	vor.u32 v1, v2;
	v8 =	vor.u32 v1, v6;
	v12 =	vld.idx.msk [tilespmem:v7+s28+$0x0], $0xffff  }
0x2e4: {  	s26 =	simm.s32 $0x8;
	v14 =	vor.u32 v3, v2;
	v6 =	vor.u32 v3, v6;
	v7 =	vor.u32 s29, v0;
	v10 =	vld.idx.msk [tilespmem:v10+s28+$0x0], $0xffff  }
0x2e5: {  	v9 =	vmov s26;
	v17 =	vld.idx.msk [tilespmem:v5+s28+$0x0], $0xffff;
	v2 =	vand.u32 $0x7F, v7;
	v7 =	vand.u32 $0xC00, v11  }
0x2e6: {  	v5 =	vor.u32 s26, v0;
	v11 =	vmov s30;
	v16 =	vor.u32 v7, v2  }
0x2e7: {  	s1 =	simm.s32 $0x12100;
	v2 =	vld.idx.msk [tilespmem:v4+s28+$0x0], $0xffff;
	v4 =	vshll.u32 v11, $0x3;
	v11 =	vshll.u32 v15, $0x3;
	v15 =	vor.u32 v3, v16  }
0x2e8: {  	v18 =	vshll.u32 v9, $0x3;
	v5 =	vand.u32 $0x79, v5;
	v7 =	vld.idx.msk [tilespmem:v8+s28+$0x0], $0xffff;
	v8 =	vor.u32 s31, v0;
	[tilespmem:s1+$0x90] =	vst v12  }
0x2e9: {  	v9 =	vld.idx.msk [tilespmem:v6+s28+$0x0], $0xffff;
	v4 =	vand.u32 $0xC00, v4;
	v11 =	vand.u32 $0xC00, v11;
	v12 =	vand.u32 $0xC00, v18;
	[tilespmem:s1+$0xFFFFFF80] =	vst v10  }
0x2ea: {  	v6 =	vld.idx.msk [tilespmem:v13+s28+$0x0], $0xffff;
	v8 =	vand.u32 $0x7D, v8;
	[tilespmem:s1+$0xFFFFFF90] =	vst v17;
	v12 =	vor.u32 v12, v5;
	v5 =	vor.u32 v4, v63  }
0x2eb: {  	v4 =	vld.idx.msk [tilespmem:v14+s28+$0x0], $0xffff;
	v13 =	vor.u32 v1, v5;
	v10 =	vor.u32 v3, v5;
	v5 =	vor.u32 v11, v8  }
0x2ec: {  	s8 =	simm.s32 $0x4;
	s12 =	simm.s32 $0x10;
	s2 =	simm.s32 $0x12100;
	v14 =	vor.u32 v1, v16;
	v11 =	vld.idx.msk [tilespmem:v15+s28+$0x0], $0xffff;
	v8 =	vor.u32 v1, v5;
	v5 =	vor.u32 v3, v5  }
.LBB2_9:
0x2ed: {  	v15 =	vmov s12;
	s4 =	sadd.s32 $0x2, s12;
	s5 =	sadd.s32 $0x6, s12;
	s8 =	sadd.s32 $0x4, s8;
	v16 =	vor.u32 v1, v12;
	v17 =	vor.u32 v3, v12;
	[tilespmem:s1+$0x0] =	vst v7  }
0x2ee: {  	s6 =	sadd.s32 $0x4, s12;
	v7 =	vmov s5;
	p1 =	slt.u32 s8, $0xFC;
	[tilespmem:s1+$0x10] =	vst v9  }
0x2ef: {  	v9 =	vor.u32 s5, v0;
	v7 =	vshll.u32 v7, $0x3;
	[tilespmem:s1+$0x80] =	vst v2  }
0x2f0: {  	v12 =	vmov s4;
	v2 =	vand.u32 $0x7F, v9;
	s1 =	sadd.s32 $0x200, s1;
	v7 =	vand.u32 $0xC00, v7;
	v13 =	vld.idx.msk [tilespmem:v13+s28+$0x0], $0xffff;
	[tilespmem:s2+$0xFFFFFF00] =	vst v6  }
0x2f1: {  	v6 =	vmov s6;
	v18 =	vor.u32 v7, v2;
	v2 =	vld.idx.msk [tilespmem:v14+s28+$0x0], $0xffff;
	[tilespmem:s1+$0x90] =	vst v11  }
0x2f2: {  	v9 =	vshll.u32 v12, $0x3;
	v6 =	vshll.u32 v6, $0x3;
	v11 =	vor.u32 v3, v18;
	v19 =	vld.idx.msk [tilespmem:v10+s28+$0x0], $0xffff;
	[tilespmem:s2+$0xFFFFFF10] =	vst v4;
	s2 =	smov.u32 s1  }
0x2f3: {  	v12 =	vor.u32 s4, v0;
	v4 =	vor.u32 s12, v0;
	v10 =	vshll.u32 v15, $0x3;
	v7 =	vld.idx.msk [tilespmem:v8+s28+$0x0], $0xffff  }
.Ltmp5:
0x2f4: {  	v14 =	vor.u32 s6, v0;
	v15 =	vand.u32 $0xC00, v6;
	v8 =	vand.u32 $0xC00, v9;
	v9 =	vld.idx.msk [tilespmem:v5+s28+$0x0], $0xffff;
	(pc) =	sbr.rel @p1 .LBB2_9-.Ltmp5, $4  }
0x2f5: {  	v4 =	vand.u32 $0x79, v4;
	v5 =	vand.u32 $0xC00, v10;
	v10 =	vand.u32 $0x7B, v12;
	v6 =	vld.idx.msk [tilespmem:v16+s28+$0x0], $0xffff  }
0x2f6: {  	v12 =	vor.u32 v5, v4;
	v5 =	vor.u32 v8, v10;
	v8 =	vand.u32 $0x7D, v14;
	v4 =	vld.idx.msk [tilespmem:v17+s28+$0x0], $0xffff;
	[tilespmem:s1+$0xFFFFFF80] =	vst v13  }
0x2f7: {  	v13 =	vor.u32 v1, v5;
	v10 =	vor.u32 v3, v5;
	v5 =	vor.u32 v15, v8;
	v11 =	vld.idx.msk [tilespmem:v11+s28+$0x0], $0xffff  }
0x2f8: {  	s12 =	sadd.s32 $0x8, s12;
	v14 =	vor.u32 v1, v18;
	v8 =	vor.u32 v1, v5;
	v5 =	vor.u32 v3, v5;
	[tilespmem:s1+$0xFFFFFF90] =	vst v19  }
0x2f9: {  	_ =	sdelay $0x2  }
0x2fa: {  	[tilespmem:s1+$0x0] =	vst v7  }
0x2fb: {  	v0 =	vld.idx.msk [tilespmem:v13+s28+$0x0], $0xffff;
	v1 =	vor.u32 v1, v12;
	[tilespmem:s1+$0x10] =	vst v9  }
0x2fc: {  	v3 =	vor.u32 v3, v12;
	[tilespmem:s1+$0x80] =	vst v2;
	v61 =	vld.idx.msk [tilespmem:v10+s28+$0x0], $0xffff  }
0x2fd: {  	v62 =	vld.idx.msk [tilespmem:v8+s28+$0x0], $0xffff;
	[tilespmem:s2+$0xFFFFFF00] =	vst v6  }
0x2fe: {  	s29 =	sadd.s32 $0x200, s1;
	v5 =	vld.idx.msk [tilespmem:v5+s28+$0x0], $0xffff;
	[tilespmem:s2+$0xFFFFFF10] =	vst v4  }
0x2ff: {  	v60 =	vld.idx.msk [tilespmem:v14+s28+$0x0], $0xffff;
	[tilespmem:s29+$0x90] =	vst v11  }
0x300: {  	v1 =	vld.idx.msk [tilespmem:v1+s28+$0x0], $0xffff;
	[tilespmem:s29+$0xFFFFFF80] =	vst v0  }
0x301: {  	v63 =	vld.idx.msk [tilespmem:v3+s28+$0x0], $0xffff;
	[tilespmem:s29+$0xFFFFFF90] =	vst v61  }
0x302: {  	[tilespmem:s29+$0x0] =	vst v62  }
0x303: {  	[tilespmem:s29+$0x10] =	vst v5  }
0x304: {  	[tilespmem:s29+$0x80] =	vst v60  }
.Ltmp6:
0x305: {  	s0 =	sshll.u32 s0, $0x7;
	s2 =	rddreg [dreg:$0x10];
	[tilespmem:s29+$0xFFFFFF00] =	vst v1;
	(pc) =	sbr.rel .LBB2_11-.Ltmp6, $4  }
0x306: {  	s0 =	sadd.s32 s2, s0;
	[tilespmem:s29+$0xFFFFFF10] =	vst v63  }
0x307: {  	s0 =	sshrl.u32 s0, $0x3;
	s1 =	rddreg [dreg:$0x6]  }
0x308: {  	s30 =	simm.s32 $0x0;
	s31 =	simm.s32 $0x12000;
	s0 =	sadd.s32 s1, s0  }
0x309: {  	[hbm4b:s0+s30] =	stream.linear.scatter [tilespmem:s31], [sflag:$0x3], $0x8000, $0x38;
	[tilespmem:$0x1C000] =	vst v63  }
.LBB2_12:
0x30a: {  	s0 =	simm.s32 $0x0;
	v1 =	vlaneseq.u32  }
0x30b: {  	s1 =	simm.s32 $0x6;
	s2 =	simm.s32 $0x2;
	s21 =	simm.s32 $0x4;
	v2 =	vmov s0;
	v0 =	vand.u32 $0x1, v1;
	v1 =	vshrl.u32 v1, $0x1  }
0x30c: {  	s29 =	simm.s32 $0xE;
	s31 =	simm.s32 $0xC;
	v3 =	vmov s1;
	v5 =	vmov s2;
	v7 =	vmov s21  }
0x30d: {  	v11 =	vmov s29;
	v15 =	vmov s31;
	v1 =	vmul.u32 $0x80, v1  }
0x30e: {  	v4 =	vor.u32 s1, v0;
	v3 =	vshll.u32 v3, $0x3;
	v5 =	vshll.u32 v5, $0x3  }
0x30f: {  	v8 =	vor.u32 s0, v0;
	v9 =	vor.u32 s2, v0;
	v10 =	vor.u32 s21, v0  }
0x310: {  	s22 =	simm.s32 $0x2;
	v4 =	vand.u32 $0x7F, v4;
	v6 =	vand.u32 $0xC00, v3;
	v5 =	vand.u32 $0xC00, v5  }
0x311: {  	_ =	swait.ge [sflag:s22], $0x2000;
	v9 =	vand.u32 $0x7B, v9;
	v3 =	vor.u32 $0x1000, v1;
	v4 =	vor.u32 v6, v4  }
0x312: {  	[sflag:s22] =	ssyncset.done $0x0;
	v6 =	vshll.u32 v7, $0x3;
	v5 =	vor.u32 v5, v9;
	v7 =	vor.u32 v3, v4  }
0x313: {  	s7 =	simm.s32 $0x3;
	s30 =	simm.s32 $0xA;
	v2 =	vshll.u32 v2, $0x3;
	[sflag:s22] =	ssyncadd.s32 $0xFFFFE000;
	v9 =	vand.u32 $0x7D, v10;
	v10 =	vor.u32 v1, v5  }
0x314: {  	v11 =	vshll.u32 v11, $0x3;
	v19 =	vor.u32 s30, v0;
	_ =	swait.ge [sflag:s7], $0x8000;
	v5 =	vor.u32 v3, v5  }
0x315: {  	v8 =	vand.u32 $0x79, v8;
	v2 =	vand.u32 $0xC00, v2;
	v6 =	vand.u32 $0xC00, v6;
	[sflag:s7] =	ssyncset.done $0x0  }
0x316: {  	v2 =	vor.u32 v2, v8;
	v4 =	vor.u32 v1, v4;
	v6 =	vor.u32 v6, v9;
	[sflag:s7] =	ssyncadd.s32 $0xFFFF8000  }
0x317: {  	v63 =	vand.u32 $0x7B, v19;
	v13 =	vor.u32 v1, v2;
	v8 =	vor.u32 v1, v6;
	v12 =	vld.idx.msk [tilespmem:v7+s28+$0x0], $0xffff  }
0x318: {  	s26 =	simm.s32 $0x8;
	v14 =	vor.u32 v3, v2;
	v6 =	vor.u32 v3, v6;
	v7 =	vor.u32 s29, v0;
	v10 =	vld.idx.msk [tilespmem:v10+s28+$0x0], $0xffff  }
0x319: {  	v9 =	vmov s26;
	v17 =	vld.idx.msk [tilespmem:v5+s28+$0x0], $0xffff;
	v2 =	vand.u32 $0x7F, v7;
	v7 =	vand.u32 $0xC00, v11  }
0x31a: {  	v5 =	vor.u32 s26, v0;
	v11 =	vmov s30;
	v16 =	vor.u32 v7, v2  }
0x31b: {  	s0 =	simm.s32 $0x12100;
	v2 =	vld.idx.msk [tilespmem:v4+s28+$0x0], $0xffff;
	v4 =	vshll.u32 v11, $0x3;
	v11 =	vshll.u32 v15, $0x3;
	v15 =	vor.u32 v3, v16  }
0x31c: {  	v18 =	vshll.u32 v9, $0x3;
	v5 =	vand.u32 $0x79, v5;
	v7 =	vld.idx.msk [tilespmem:v8+s28+$0x0], $0xffff;
	v8 =	vor.u32 s31, v0;
	[tilespmem:s0+$0x90] =	vst v12  }
0x31d: {  	v9 =	vld.idx.msk [tilespmem:v6+s28+$0x0], $0xffff;
	v4 =	vand.u32 $0xC00, v4;
	v11 =	vand.u32 $0xC00, v11;
	v12 =	vand.u32 $0xC00, v18;
	[tilespmem:s0+$0xFFFFFF80] =	vst v10  }
0x31e: {  	v6 =	vld.idx.msk [tilespmem:v13+s28+$0x0], $0xffff;
	v8 =	vand.u32 $0x7D, v8;
	[tilespmem:s0+$0xFFFFFF90] =	vst v17;
	v12 =	vor.u32 v12, v5;
	v5 =	vor.u32 v4, v63  }
0x31f: {  	v4 =	vld.idx.msk [tilespmem:v14+s28+$0x0], $0xffff;
	v13 =	vor.u32 v1, v5;
	v10 =	vor.u32 v3, v5;
	v5 =	vor.u32 v11, v8  }
0x320: {  	s8 =	simm.s32 $0x10;
	s2 =	simm.s32 $0x4;
	s1 =	simm.s32 $0x12100;
	v14 =	vor.u32 v1, v16;
	v11 =	vld.idx.msk [tilespmem:v15+s28+$0x0], $0xffff;
	v8 =	vor.u32 v1, v5;
	v5 =	vor.u32 v3, v5  }
.LBB2_13:
0x321: {  	v15 =	vmov s8;
	s4 =	sadd.s32 $0x2, s8;
	s5 =	sadd.s32 $0x6, s8;
	s2 =	sadd.s32 $0x4, s2;
	v16 =	vor.u32 v1, v12;
	v17 =	vor.u32 v3, v12;
	[tilespmem:s0+$0x0] =	vst v7  }
0x322: {  	s6 =	sadd.s32 $0x4, s8;
	v7 =	vmov s5;
	p0 =	slt.u32 s2, $0xFC;
	[tilespmem:s0+$0x10] =	vst v9  }
0x323: {  	v9 =	vor.u32 s5, v0;
	v7 =	vshll.u32 v7, $0x3;
	[tilespmem:s0+$0x80] =	vst v2  }
0x324: {  	v12 =	vmov s4;
	v2 =	vand.u32 $0x7F, v9;
	s0 =	sadd.s32 $0x200, s0;
	v7 =	vand.u32 $0xC00, v7;
	v13 =	vld.idx.msk [tilespmem:v13+s28+$0x0], $0xffff;
	[tilespmem:s1+$0xFFFFFF00] =	vst v6  }
0x325: {  	v6 =	vmov s6;
	v18 =	vor.u32 v7, v2;
	v2 =	vld.idx.msk [tilespmem:v14+s28+$0x0], $0xffff;
	[tilespmem:s0+$0x90] =	vst v11  }
0x326: {  	v9 =	vshll.u32 v12, $0x3;
	v6 =	vshll.u32 v6, $0x3;
	v11 =	vor.u32 v3, v18;
	v19 =	vld.idx.msk [tilespmem:v10+s28+$0x0], $0xffff;
	[tilespmem:s1+$0xFFFFFF10] =	vst v4;
	s1 =	smov.u32 s0  }
0x327: {  	v12 =	vor.u32 s4, v0;
	v4 =	vor.u32 s8, v0;
	v10 =	vshll.u32 v15, $0x3;
	v7 =	vld.idx.msk [tilespmem:v8+s28+$0x0], $0xffff  }
.Ltmp7:
0x328: {  	v14 =	vor.u32 s6, v0;
	v15 =	vand.u32 $0xC00, v6;
	v8 =	vand.u32 $0xC00, v9;
	v9 =	vld.idx.msk [tilespmem:v5+s28+$0x0], $0xffff;
	(pc) =	sbr.rel @p0 .LBB2_13-.Ltmp7, $4  }
0x329: {  	v4 =	vand.u32 $0x79, v4;
	v5 =	vand.u32 $0xC00, v10;
	v10 =	vand.u32 $0x7B, v12;
	v6 =	vld.idx.msk [tilespmem:v16+s28+$0x0], $0xffff  }
0x32a: {  	v12 =	vor.u32 v5, v4;
	v5 =	vor.u32 v8, v10;
	v8 =	vand.u32 $0x7D, v14;
	v4 =	vld.idx.msk [tilespmem:v17+s28+$0x0], $0xffff;
	[tilespmem:s0+$0xFFFFFF80] =	vst v13  }
0x32b: {  	v13 =	vor.u32 v1, v5;
	v10 =	vor.u32 v3, v5;
	v5 =	vor.u32 v15, v8;
	v11 =	vld.idx.msk [tilespmem:v11+s28+$0x0], $0xffff  }
0x32c: {  	s8 =	sadd.s32 $0x8, s8;
	v14 =	vor.u32 v1, v18;
	v8 =	vor.u32 v1, v5;
	v5 =	vor.u32 v3, v5;
	[tilespmem:s0+$0xFFFFFF90] =	vst v19  }
0x32d: {  	_ =	sdelay $0x2  }
0x32e: {  	[tilespmem:s0+$0x0] =	vst v7  }
0x32f: {  	v0 =	vld.idx.msk [tilespmem:v13+s28+$0x0], $0xffff;
	v1 =	vor.u32 v1, v12;
	[tilespmem:s0+$0x10] =	vst v9  }
0x330: {  	v3 =	vor.u32 v3, v12;
	[tilespmem:s0+$0x80] =	vst v2;
	v61 =	vld.idx.msk [tilespmem:v10+s28+$0x0], $0xffff  }
0x331: {  	v62 =	vld.idx.msk [tilespmem:v8+s28+$0x0], $0xffff;
	[tilespmem:s1+$0xFFFFFF00] =	vst v6  }
0x332: {  	s26 =	sadd.s32 $0x200, s0;
	v5 =	vld.idx.msk [tilespmem:v5+s28+$0x0], $0xffff;
	[tilespmem:s1+$0xFFFFFF10] =	vst v4  }
0x333: {  	v60 =	vld.idx.msk [tilespmem:v14+s28+$0x0], $0xffff;
	[tilespmem:s26+$0x90] =	vst v11  }
0x334: {  	v1 =	vld.idx.msk [tilespmem:v1+s28+$0x0], $0xffff;
	[tilespmem:s26+$0xFFFFFF80] =	vst v0  }
0x335: {  	v63 =	vld.idx.msk [tilespmem:v3+s28+$0x0], $0xffff;
	[tilespmem:s26+$0xFFFFFF90] =	vst v61  }
0x336: {  	[tilespmem:s26+$0x0] =	vst v62  }
0x337: {  	[tilespmem:s26+$0x10] =	vst v5  }
0x338: {  	[tilespmem:s26+$0x80] =	vst v60  }
0x339: {  	[tilespmem:s26+$0xFFFFFF00] =	vst v1  }
0x33a: {  	[tilespmem:s26+$0xFFFFFF10] =	vst v63  }
0x33b: {  	s4 =	simm.s32 $0x0;
	s29 =	simm.s32 $0x12000;
	s0 =	rddreg [dreg:$0x13]  }
0x33c: {  	[hbm4b:s0+s4] =	stream.linear.scatter [tilespmem:s29], [sflag:$0x3], $0x8000, $0x38;
	[tilespmem:$0x1C000] =	vst v63  }
0x33d: {  	_ =	swait.ge [sflag:s7], $0x8000  }
0x33e: {  	s30 =	rddreg [dreg:$0x15]  }
0x33f: {  	s31 =	rddreg [dreg:$0x14];
	s1 =	sadd.s32 $0x1, s30  }
0x340: {  	p0 =	sne.s32 s1, s31  }
.Ltmp8:
0x341: {  	_ = 	snop;
	(pc) =	sbr.rel @p0 .LBB2_1-.Ltmp8, $3  }
0x342: {  	_ =	sdelay $0x1  }
0x343: {  	[sflag:s7] =	ssyncset.done $0x0  }
0x344: {  	[sflag:s7] =	ssyncadd.s32 $0xFFFF8000  }
0x345: {  	_ =	sfence.sel $0x180000  }
0x346: {  	[bflag:$0x0] =	sbarrier.arrive $0xFFFF  }
0x347: {  	_ =	strace $0x90000047  }
0x348: {  	s0 =	stileid.u32;
	[bflag:$0x2] =	sbarrier.arrive $0xFFFF  }
0x349: {  	p0 =	sne.s32 s0, $0x0;
	s0 =	rddreg [dreg:$0x3]  }
0x34a: {  	s0 =	sadd.s32 @!p0 $0x100000, s0  }
0x34b: {  	[sflag:s0] =	ssyncadd.tile.s32 @!p0 $0x1;
	_ =	shalt  }
.Lfunc_end2:
_tile_overlayer_lowered:
.L_overlay_start_2:
0x34c: {  	(tag) =	ssettag $0x2  }
0x34d: {  	s0 =	rddreg [dreg:$0x0];
	s2 =	stileid.u32  }
0x34e: {  	s1 =	rddreg [dreg:$0x1];
	p0 =	sne.s32 s2, $0x0  }
0x34f: {  	s3 =	rddreg [dreg:$0x2];
	[bflag:$0x3] =	sbarrier.arrive $0xFFFF;
	s2 =	simm.s32 @!p0 $0x1C04  }
0x350: {  	[timem:s3], [sflag:s2] =	dma.local @!p0 [hbm:s0], s1  }
0x351: {  	s0 =	simm.s32 @!p0 $0x4  }
0x352: {  	_ =	swait.ge @!p0 [sflag:s0], s1  }
0x353: {  	s1 =	ssub.s32 @!p0 $0x0, s1;
	[sflag:s0] =	ssyncset.done @!p0 $0x0  }
0x354: {  	[sflag:s0] =	ssyncadd.s32 @!p0 s1  }
0x355: {  	[bflag:$0x3] =	sbarrier.arrive $0xFFFF  }
0x356: {  	_ =	shalt  }

</sc_bundles>
